<compile_context>
chip_gen: v7x
topology: tpu7x:2x2x1
jax: 0.10.2.dev20260603
libtpu: 0.0.44.dev20260713+nightly
codegen_flags: <defaults>
</compile_context>

<pallas_src>
import functools

import jax
import jax.numpy as jnp
from jax import lax
from jax.experimental import pallas as pl
from jax.experimental.pallas import tpu as pltpu
from jax.experimental.pallas import tpu_sc as plsc

_NC = 2
_NS = 16
_NW = _NC * _NS
_TC = 32768


def _tc_reformat(uT, iT):
    D, N = uT.shape

    def body(u_ref, i_ref, o_ref):
        x2 = jnp.concatenate(
            [u_ref[...].astype(jnp.bfloat16),
             i_ref[...].astype(jnp.bfloat16)], axis=0)
        eye = (lax.broadcasted_iota(jnp.int32, (2 * D, 2 * D), 0)
               == lax.broadcasted_iota(jnp.int32, (2 * D, 2 * D), 1)
               ).astype(jnp.bfloat16)
        t = lax.dot_general(x2, eye, (((0,), (0,)), ((), ())),
                            preferred_element_type=jnp.float32)
        o_ref[...] = pltpu.bitcast(t.astype(jnp.bfloat16), jnp.int32)

    return pl.pallas_call(
        body,
        grid=(N + _TC - 1) // _TC,
        in_specs=[
            pl.BlockSpec((D, _TC), lambda g: (0, g)),
            pl.BlockSpec((D, _TC), lambda g: (0, g)),
        ],
        out_specs=pl.BlockSpec((_TC // 2, 2 * D), lambda g: (g, 0)),
        out_shape=jax.ShapeDtypeStruct((N // 2, 2 * D), jnp.int32),
        compiler_params=pltpu.CompilerParams(
            vmem_limit_bytes=100 * 1024 * 1024),
    )(uT, iT)


def _sc_gather(tui, ubp, ibp, uid, iid):
    B = uid.shape[0]
    W = tui.shape[1]
    bpw = B // _NW
    mesh = plsc.VectorSubcoreMesh(core_axis_name="c", subcore_axis_name="s")
    out_type = (
        jax.ShapeDtypeStruct((B, W), jnp.int32),
        jax.ShapeDtypeStruct((B, W), jnp.int32),
        jax.ShapeDtypeStruct((B, W), jnp.float32),
        jax.ShapeDtypeStruct((B, W), jnp.float32),
    )

    @functools.partial(
        pl.kernel,
        out_type=out_type,
        mesh=mesh,
        scratch_types=[
            pltpu.VMEM((bpw,), jnp.int32),
            pltpu.VMEM((bpw,), jnp.int32),
            pltpu.VMEM((bpw,), jnp.int32),
            pltpu.VMEM((bpw,), jnp.int32),
            pltpu.VMEM((bpw,), jnp.int32),
            pltpu.VMEM((bpw,), jnp.int32),
            pltpu.VMEM((bpw, W), jnp.int32),
            pltpu.VMEM((bpw, W), jnp.int32),
            pltpu.VMEM((bpw, W), jnp.float32),
            pltpu.VMEM((bpw, W), jnp.float32),
            pltpu.SemaphoreType.DMA,
            pltpu.SemaphoreType.DMA,
            pltpu.SemaphoreType.DMA,
            pltpu.SemaphoreType.DMA,
        ],
    )
    def k(tui_h, ubp_h, ibp_h, uid_h, iid_h,
          ou_h, oi_h, oub_h, oib_h,
          uidx_v, iidx_v, uer_v, ier_v, urow_v, irow_v, uw_v, iw_v,
          ubw_v, ibw_v, s0, s1, s2, s3):
        wid = lax.axis_index("s") * _NC + lax.axis_index("c")
        base = wid * bpw
        pltpu.sync_copy(uid_h.at[pl.ds(base, bpw)], uidx_v)
        pltpu.sync_copy(iid_h.at[pl.ds(base, bpw)], iidx_v)

        @pl.loop(0, bpw, step=16)
        def _(j):
            uer_v[pl.ds(j, 16)] = jnp.right_shift(uidx_v[pl.ds(j, 16)], 1)
            ier_v[pl.ds(j, 16)] = jnp.right_shift(iidx_v[pl.ds(j, 16)], 1)
            urow_v[pl.ds(j, 16)] = jnp.right_shift(uidx_v[pl.ds(j, 16)], 7)
            irow_v[pl.ds(j, 16)] = jnp.right_shift(iidx_v[pl.ds(j, 16)], 7)

        c0 = pltpu.async_copy(tui_h.at[uer_v], uw_v, s0)
        c1 = pltpu.async_copy(tui_h.at[ier_v], iw_v, s1)
        c2 = pltpu.async_copy(ubp_h.at[urow_v], ubw_v, s2)
        c3 = pltpu.async_copy(ibp_h.at[irow_v], ibw_v, s3)

        c0.wait()
        c1.wait()
        c2.wait()
        c3.wait()
        pltpu.sync_copy(uw_v, ou_h.at[pl.ds(base, bpw)])
        pltpu.sync_copy(iw_v, oi_h.at[pl.ds(base, bpw)])
        pltpu.sync_copy(ubw_v, oub_h.at[pl.ds(base, bpw)])
        pltpu.sync_copy(ibw_v, oib_h.at[pl.ds(base, bpw)])

    return k(tui, ubp, ibp, uid, iid)


def _unpack(w, par):
    bits = jnp.where(par == 0, w & 0xFFFF, lax.shift_right_logical(w, 16))
    return lax.bitcast_convert_type(lax.shift_left(bits, 16), jnp.float32)


def _tc_select(uw, iw, ubw, ibw, uid2, iid2):
    B, W = ubw.shape
    D = W // 2
    TM = 2048

    def body(uw_ref, iw_ref, ubw_ref, ibw_ref, uid_ref, iid_ref,
             ou_ref, oi_ref, oub_ref, oib_ref):
        up = uid_ref[...] & 1
        ip = iid_ref[...] & 1
        ou_ref[...] = _unpack(uw_ref[...], up)[:, :D].astype(jnp.bfloat16)
        oi_ref[...] = _unpack(iw_ref[...], ip)[:, D:].astype(jnp.bfloat16)
        lane = lax.broadcasted_iota(jnp.int32, (TM, W), 1)
        oub_ref[...] = jnp.sum(
            jnp.where(lane == (uid_ref[...] & (W - 1)), ubw_ref[...], 0.0),
            axis=1, keepdims=True)
        oib_ref[...] = jnp.sum(
            jnp.where(lane == (iid_ref[...] & (W - 1)), ibw_ref[...], 0.0),
            axis=1, keepdims=True)

    return pl.pallas_call(
        body,
        grid=(B // TM,),
        in_specs=[
            pl.BlockSpec((TM, W), lambda m: (m, 0)),
            pl.BlockSpec((TM, W), lambda m: (m, 0)),
            pl.BlockSpec((TM, W), lambda m: (m, 0)),
            pl.BlockSpec((TM, W), lambda m: (m, 0)),
            pl.BlockSpec((TM, 1), lambda m: (m, 0)),
            pl.BlockSpec((TM, 1), lambda m: (m, 0)),
        ],
        out_specs=[
            pl.BlockSpec((TM, D), lambda m: (m, 0)),
            pl.BlockSpec((TM, D), lambda m: (m, 0)),
            pl.BlockSpec((TM, 1), lambda m: (m, 0)),
            pl.BlockSpec((TM, 1), lambda m: (m, 0)),
        ],
        out_shape=[
            jax.ShapeDtypeStruct((B, D), jnp.bfloat16),
            jax.ShapeDtypeStruct((B, D), jnp.bfloat16),
            jax.ShapeDtypeStruct((B, 1), jnp.float32),
            jax.ShapeDtypeStruct((B, 1), jnp.float32),
        ],
    )(uw, iw, ubw, ibw, uid2, iid2)


def _tc_matmul(u, it, ubg, ibg_row):
    B, D = u.shape
    TM = 512

    def body(u_ref, i_ref, ub_ref, ib_ref, o_ref):
        acc = lax.dot_general(
            u_ref[...], i_ref[...],
            (((1,), (1,)), ((), ())),
            preferred_element_type=jnp.float32,
        )
        o_ref[...] = acc + ub_ref[...] + ib_ref[...]

    return pl.pallas_call(
        body,
        grid=(B // TM,),
        in_specs=[
            pl.BlockSpec((TM, D), lambda m: (m, 0)),
            pl.BlockSpec((B, D), lambda m: (0, 0)),
            pl.BlockSpec((TM, 1), lambda m: (m, 0)),
            pl.BlockSpec((1, B), lambda m: (0, 0)),
        ],
        out_specs=pl.BlockSpec((TM, B), lambda m: (m, 0)),
        out_shape=jax.ShapeDtypeStruct((B, B), jnp.float32),
    )(u, it, ubg, ibg_row)


def kernel(user_id, item_id, user_emb, item_emb, ub, ib):
    uid = user_id.astype(jnp.int32)
    iid = item_id.astype(jnp.int32)
    n = ub.shape[0]
    npad = (-n) % 128
    ubp = jnp.concatenate(
        [ub.reshape(1, n), jnp.zeros((1, npad), jnp.float32)], axis=1
    ).reshape(-1, 128)
    ibp = jnp.concatenate(
        [ib.reshape(1, n), jnp.zeros((1, npad), jnp.float32)], axis=1
    ).reshape(-1, 128)
    tui = _tc_reformat(user_emb.T, item_emb.T)
    uw, iw, ubw, ibw = _sc_gather(tui, ubp, ibp, uid, iid)
    uid2 = uid.reshape(-1, 1)
    iid2 = iid.reshape(-1, 1)
    usel, isel, ubsel, ibsel = _tc_select(uw, iw, ubw, ibw, uid2, iid2)
    return _tc_matmul(usel, isel, ubsel, ibsel.reshape(1, -1))

# --- scband reference (transcript-rebuilt; emitter-appended) ---
"""Pipeline reference for scband-pmf-5703716569708 (READ-ONLY COPY).

The authoritative reference and input builder live on the scoring server;
editing this copy changes nothing except your own understanding.
"""

import jax, jax.numpy as jnp
import numpy as np

N_USERS = 1000000
N_ITEMS = 1000000
D = 64
B = 4096


def setup_inputs(seed: int = 0) -> dict:
    key = jax.random.key(seed)
    k1, k2, k3, k4, k5, k6 = jax.random.split(key, 6)
    user_id = jax.random.randint(k1, (B,), 0, N_USERS, dtype=jnp.int64 if jax.config.jax_enable_x64 else jnp.int32)
    item_id = jax.random.randint(k2, (B,), 0, N_ITEMS, dtype=jnp.int64 if jax.config.jax_enable_x64 else jnp.int32)
    # Learned parameters, initialized like the torch module
    user_emb = 0.1 * jax.random.uniform(k3, (N_USERS, D), dtype=jnp.float32)
    item_emb = 0.1 * jax.random.uniform(k4, (N_ITEMS, D), dtype=jnp.float32)
    ub = jax.random.uniform(k5, (N_USERS, 1), minval=-0.01, maxval=0.01, dtype=jnp.float32)
    ib = jax.random.uniform(k6, (N_ITEMS, 1), minval=-0.01, maxval=0.01, dtype=jnp.float32)
    return {
        "user_id": user_id,
        "item_id": item_id,
        "user_emb": user_emb,
        "item_emb": item_emb,
        "ub": ub,
        "ib": ib,
    }


def reference(user_id, item_id, user_emb, item_emb, ub, ib):
    # user_h1 = self.user_embeddings(user_id)
    user_h1 = jnp.take(user_emb, user_id, axis=0)            # [B, D]
    # item_h1 = self.item_embeddings(item_id).T
    item_h1 = jnp.take(item_emb, item_id, axis=0).T          # [D, B]
    # R_h = mm(user_h1, item_h1) + ub(user_id) + ib(item_id).T
    R_h = jnp.matmul(user_h1, item_h1) \
        + jnp.take(ub, user_id, axis=0) \
        + jnp.take(ib, item_id, axis=0).T                    # [B, B]
    return R_h

if __name__ == "__main__":
    import jax
    _d = setup_inputs()
    print(jax.jit(kernel)(*tuple(_d.values())))

</pallas_src>

<mosaic_0001>
#map = affine_map<(d0, d1) -> (0, 0)>
#map1 = affine_map<(d0, d1) -> (0)>
module attributes {stable_mosaic.version = 14 : i64} {
  func.func @k(%arg0: i32, %arg1: i32, %arg2: memref<500000x128xi32, #tpu.memory_space<hbm>>, %arg3: memref<7813x128xf32, #tpu.memory_space<hbm>>, %arg4: memref<7813x128xf32, #tpu.memory_space<hbm>>, %arg5: memref<4096xi32, #tpu.memory_space<hbm>>, %arg6: memref<4096xi32, #tpu.memory_space<hbm>>, %arg7: memref<4096x128xi32, #tpu.memory_space<hbm>>, %arg8: memref<4096x128xi32, #tpu.memory_space<hbm>>, %arg9: memref<4096x128xf32, #tpu.memory_space<hbm>>, %arg10: memref<4096x128xf32, #tpu.memory_space<hbm>>, %arg11: memref<128xi32, #tpu.memory_space<vmem>>, %arg12: memref<128xi32, #tpu.memory_space<vmem>>, %arg13: memref<128xi32, #tpu.memory_space<vmem>>, %arg14: memref<128xi32, #tpu.memory_space<vmem>>, %arg15: memref<128xi32, #tpu.memory_space<vmem>>, %arg16: memref<128xi32, #tpu.memory_space<vmem>>, %arg17: memref<128x128xi32, #tpu.memory_space<vmem>>, %arg18: memref<128x128xi32, #tpu.memory_space<vmem>>, %arg19: memref<128x128xf32, #tpu.memory_space<vmem>>, %arg20: memref<128x128xf32, #tpu.memory_space<vmem>>, %arg21: memref<!tpu.dma_semaphore, #tpu.memory_space<semaphore_mem>>, %arg22: memref<!tpu.dma_semaphore, #tpu.memory_space<semaphore_mem>>, %arg23: memref<!tpu.dma_semaphore, #tpu.memory_space<semaphore_mem>>, %arg24: memref<!tpu.dma_semaphore, #tpu.memory_space<semaphore_mem>>) attributes {dimension_semantics = [#tpu.dimension_semantics<core_parallel>, #tpu.dimension_semantics<subcore_parallel>], iteration_bounds = array<i64: 2, 16>, scalar_prefetch = 0 : i64, scratch_operands = 14 : i64, tpu.core_type = #tpu.core_type<sc_vector_subcore>, window_params = [{transform_indices = #map}, {transform_indices = #map}, {transform_indices = #map}, {transform_indices = #map1}, {transform_indices = #map1}, {transform_indices = #map}, {transform_indices = #map}, {transform_indices = #map}, {transform_indices = #map}]} {
    %mul3A = arith.constant 2 : i32
    %mul3A_0 = arith.muli %arg1, %mul3A : i32
    %add3A = arith.addi %mul3A_0, %arg0 : i32
    %mul3A_1 = arith.constant 128 : i32
    %mul3A_2 = arith.muli %add3A, %mul3A_1 : i32
    "tpu.region"() ({
      %run_scoped3A = tpu.sem_alloc : memref<!tpu.dma_semaphore, #tpu.memory_space<semaphore_mem>>
      %dma_start3A_29 = tpu.memref_slice %arg5[%mul3A_2] : memref<4096xi32, #tpu.memory_space<hbm>> -> memref<128xi32, #tpu.memory_space<hbm>>
      %dma_start3A_30 = tpu.memref_slice %arg5[%mul3A_2] : memref<4096xi32, #tpu.memory_space<hbm>> -> memref<128xi32, #tpu.memory_space<hbm>>
      tpu.enqueue_dma source(%dma_start3A_30 : memref<128xi32, #tpu.memory_space<hbm>>) target(%arg11 : memref<128xi32, #tpu.memory_space<vmem>>) target_semaphore(%run_scoped3A : memref<!tpu.dma_semaphore, #tpu.memory_space<semaphore_mem>>)
      %dma_wait3A_31 = tpu.memref_slice %arg5[%mul3A_2] : memref<4096xi32, #tpu.memory_space<hbm>> -> memref<128xi32, #tpu.memory_space<hbm>>
      %dma_wait3A_32 = tpu.memref_slice %arg5[%mul3A_2] : memref<4096xi32, #tpu.memory_space<hbm>> -> memref<128xi32, #tpu.memory_space<hbm>>
      tpu.wait_dma2 semaphore(%run_scoped3A : memref<!tpu.dma_semaphore, #tpu.memory_space<semaphore_mem>>) src(%dma_wait3A_32 : memref<128xi32, #tpu.memory_space<hbm>>) dst(%arg11 : memref<128xi32, #tpu.memory_space<vmem>>)
      tpu.yield
    }) : () -> ()
    "tpu.region"() ({
      %run_scoped3A = tpu.sem_alloc : memref<!tpu.dma_semaphore, #tpu.memory_space<semaphore_mem>>
      %dma_start3A_29 = tpu.memref_slice %arg6[%mul3A_2] : memref<4096xi32, #tpu.memory_space<hbm>> -> memref<128xi32, #tpu.memory_space<hbm>>
      %dma_start3A_30 = tpu.memref_slice %arg6[%mul3A_2] : memref<4096xi32, #tpu.memory_space<hbm>> -> memref<128xi32, #tpu.memory_space<hbm>>
      tpu.enqueue_dma source(%dma_start3A_30 : memref<128xi32, #tpu.memory_space<hbm>>) target(%arg12 : memref<128xi32, #tpu.memory_space<vmem>>) target_semaphore(%run_scoped3A : memref<!tpu.dma_semaphore, #tpu.memory_space<semaphore_mem>>)
      %dma_wait3A_31 = tpu.memref_slice %arg6[%mul3A_2] : memref<4096xi32, #tpu.memory_space<hbm>> -> memref<128xi32, #tpu.memory_space<hbm>>
      %dma_wait3A_32 = tpu.memref_slice %arg6[%mul3A_2] : memref<4096xi32, #tpu.memory_space<hbm>> -> memref<128xi32, #tpu.memory_space<hbm>>
      tpu.wait_dma2 semaphore(%run_scoped3A : memref<!tpu.dma_semaphore, #tpu.memory_space<semaphore_mem>>) src(%dma_wait3A_32 : memref<128xi32, #tpu.memory_space<hbm>>) dst(%arg12 : memref<128xi32, #tpu.memory_space<vmem>>)
      tpu.yield
    }) : () -> ()
    %scan3A = arith.constant 0 : i32
    %scan3A_3 = arith.constant 8 : i32
    %scan3A_4 = arith.addi %scan3A, %scan3A_3 : i32
    %scan3A_5 = arith.constant 1 : i32
    scf.for %scan3A_29 = %scan3A to %scan3A_4 step %scan3A_5  : i32 {
      %mul3A_30 = arith.constant 16 : i32
      %mul3A_31 = arith.muli %scan3A_29, %mul3A_30 : i32
      %add3A_32 = arith.constant 0 : i32
      %add3A_33 = arith.addi %add3A_32, %mul3A_31 : i32
      %get3A = arith.index_cast %add3A_33 : i32 to index
      %get3A_34 = tpu.vector_load %arg11[%get3A] {strides = array<i32>} : memref<128xi32, #tpu.memory_space<vmem>>, vector<16xi32>,
      %get3A_35 = vector.shape_cast %get3A_34 : vector<16xi32> to vector<16xi32>
      %shift_right_arithmetic3A = arith.constant 1 : i32
      %shift_right_arithmetic3A_36 = vector.broadcast %shift_right_arithmetic3A : i32 to vector<16xi32>
      %shift_right_arithmetic3A_37 = arith.shrsi %get3A_35, %shift_right_arithmetic3A_36 : vector<16xi32>
      %swap3A = arith.index_cast %add3A_33 : i32 to index
      %swap3A_38 = tpu.vector_load %arg13[%swap3A] {strides = array<i32>} : memref<128xi32, #tpu.memory_space<vmem>>, vector<16xi32>,
      %swap3A_39 = vector.shape_cast %swap3A_38 : vector<16xi32> to vector<16xi32>
      %swap3A_40 = vector.shape_cast %shift_right_arithmetic3A_37 : vector<16xi32> to vector<16xi32>
      tpu.vector_store %arg13[%swap3A], %swap3A_40 {strides = array<i32>} : memref<128xi32, #tpu.memory_space<vmem>>, vector<16xi32>,
      %get3A_41 = arith.index_cast %add3A_33 : i32 to index
      %get3A_42 = tpu.vector_load %arg12[%get3A_41] {strides = array<i32>} : memref<128xi32, #tpu.memory_space<vmem>>, vector<16xi32>,
      %get3A_43 = vector.shape_cast %get3A_42 : vector<16xi32> to vector<16xi32>
      %shift_right_arithmetic3A_44 = arith.constant 1 : i32
      %shift_right_arithmetic3A_45 = vector.broadcast %shift_right_arithmetic3A_44 : i32 to vector<16xi32>
      %shift_right_arithmetic3A_46 = arith.shrsi %get3A_43, %shift_right_arithmetic3A_45 : vector<16xi32>
      %swap3A_47 = arith.index_cast %add3A_33 : i32 to index
      %swap3A_48 = tpu.vector_load %arg14[%swap3A_47] {strides = array<i32>} : memref<128xi32, #tpu.memory_space<vmem>>, vector<16xi32>,
      %swap3A_49 = vector.shape_cast %swap3A_48 : vector<16xi32> to vector<16xi32>
      %swap3A_50 = vector.shape_cast %shift_right_arithmetic3A_46 : vector<16xi32> to vector<16xi32>
      tpu.vector_store %arg14[%swap3A_47], %swap3A_50 {strides = array<i32>} : memref<128xi32, #tpu.memory_space<vmem>>, vector<16xi32>,
      %get3A_51 = arith.index_cast %add3A_33 : i32 to index
      %get3A_52 = tpu.vector_load %arg11[%get3A_51] {strides = array<i32>} : memref<128xi32, #tpu.memory_space<vmem>>, vector<16xi32>,
      %get3A_53 = vector.shape_cast %get3A_52 : vector<16xi32> to vector<16xi32>
      %shift_right_arithmetic3A_54 = arith.constant 7 : i32
      %shift_right_arithmetic3A_55 = vector.broadcast %shift_right_arithmetic3A_54 : i32 to vector<16xi32>
      %shift_right_arithmetic3A_56 = arith.shrsi %get3A_53, %shift_right_arithmetic3A_55 : vector<16xi32>
      %swap3A_57 = arith.index_cast %add3A_33 : i32 to index
      %swap3A_58 = tpu.vector_load %arg15[%swap3A_57] {strides = array<i32>} : memref<128xi32, #tpu.memory_space<vmem>>, vector<16xi32>,
      %swap3A_59 = vector.shape_cast %swap3A_58 : vector<16xi32> to vector<16xi32>
      %swap3A_60 = vector.shape_cast %shift_right_arithmetic3A_56 : vector<16xi32> to vector<16xi32>
      tpu.vector_store %arg15[%swap3A_57], %swap3A_60 {strides = array<i32>} : memref<128xi32, #tpu.memory_space<vmem>>, vector<16xi32>,
      %get3A_61 = arith.index_cast %add3A_33 : i32 to index
      %get3A_62 = tpu.vector_load %arg12[%get3A_61] {strides = array<i32>} : memref<128xi32, #tpu.memory_space<vmem>>, vector<16xi32>,
      %get3A_63 = vector.shape_cast %get3A_62 : vector<16xi32> to vector<16xi32>
      %shift_right_arithmetic3A_64 = arith.constant 7 : i32
      %shift_right_arithmetic3A_65 = vector.broadcast %shift_right_arithmetic3A_64 : i32 to vector<16xi32>
      %shift_right_arithmetic3A_66 = arith.shrsi %get3A_63, %shift_right_arithmetic3A_65 : vector<16xi32>
      %swap3A_67 = arith.index_cast %add3A_33 : i32 to index
      %swap3A_68 = tpu.vector_load %arg16[%swap3A_67] {strides = array<i32>} : memref<128xi32, #tpu.memory_space<vmem>>, vector<16xi32>,
      %swap3A_69 = vector.shape_cast %swap3A_68 : vector<16xi32> to vector<16xi32>
      %swap3A_70 = vector.shape_cast %shift_right_arithmetic3A_66 : vector<16xi32> to vector<16xi32>
      tpu.vector_store %arg16[%swap3A_67], %swap3A_70 {strides = array<i32>} : memref<128xi32, #tpu.memory_space<vmem>>, vector<16xi32>,
    }
    %scan3A_6 = arith.constant 8 : i32
    %dma_start3A = arith.constant 0 : i32
    %dma_start3A_7 = arith.constant 0 : i32
    %dma_start3A_8 = tpu.memref_slice %arg2[%dma_start3A, %dma_start3A_7] : memref<500000x128xi32, #tpu.memory_space<hbm>> -> memref<500000x128xi32, #tpu.memory_space<hbm>>
    tpu.enqueue_indirect_dma source(%dma_start3A_8 : memref<500000x128xi32, #tpu.memory_space<hbm>>) target(%arg17 : memref<128x128xi32, #tpu.memory_space<vmem>>) offsets(%arg13 : memref<128xi32, #tpu.memory_space<vmem>>) semaphore(%arg21 : memref<!tpu.dma_semaphore, #tpu.memory_space<semaphore_mem>>)
    %dma_start3A_9 = arith.constant 0 : i32
    %dma_start3A_10 = arith.constant 0 : i32
    %dma_start3A_11 = tpu.memref_slice %arg2[%dma_start3A_9, %dma_start3A_10] : memref<500000x128xi32, #tpu.memory_space<hbm>> -> memref<500000x128xi32, #tpu.memory_space<hbm>>
    tpu.enqueue_indirect_dma source(%dma_start3A_11 : memref<500000x128xi32, #tpu.memory_space<hbm>>) target(%arg18 : memref<128x128xi32, #tpu.memory_space<vmem>>) offsets(%arg14 : memref<128xi32, #tpu.memory_space<vmem>>) semaphore(%arg22 : memref<!tpu.dma_semaphore, #tpu.memory_space<semaphore_mem>>)
    %dma_start3A_12 = arith.constant 0 : i32
    %dma_start3A_13 = arith.constant 0 : i32
    %dma_start3A_14 = tpu.memref_slice %arg3[%dma_start3A_12, %dma_start3A_13] : memref<7813x128xf32, #tpu.memory_space<hbm>> -> memref<7813x128xf32, #tpu.memory_space<hbm>>
    tpu.enqueue_indirect_dma source(%dma_start3A_14 : memref<7813x128xf32, #tpu.memory_space<hbm>>) target(%arg19 : memref<128x128xf32, #tpu.memory_space<vmem>>) offsets(%arg15 : memref<128xi32, #tpu.memory_space<vmem>>) semaphore(%arg23 : memref<!tpu.dma_semaphore, #tpu.memory_space<semaphore_mem>>)
    %dma_start3A_15 = arith.constant 0 : i32
    %dma_start3A_16 = arith.constant 0 : i32
    %dma_start3A_17 = tpu.memref_slice %arg4[%dma_start3A_15, %dma_start3A_16] : memref<7813x128xf32, #tpu.memory_space<hbm>> -> memref<7813x128xf32, #tpu.memory_space<hbm>>
    tpu.enqueue_indirect_dma source(%dma_start3A_17 : memref<7813x128xf32, #tpu.memory_space<hbm>>) target(%arg20 : memref<128x128xf32, #tpu.memory_space<vmem>>) offsets(%arg16 : memref<128xi32, #tpu.memory_space<vmem>>) semaphore(%arg24 : memref<!tpu.dma_semaphore, #tpu.memory_space<semaphore_mem>>)
    %dma_wait3A = arith.constant 0 : i32
    %dma_wait3A_18 = arith.constant 0 : i32
    %dma_wait3A_19 = tpu.memref_slice %arg2[%dma_wait3A, %dma_wait3A_18] : memref<500000x128xi32, #tpu.memory_space<hbm>> -> memref<500000x128xi32, #tpu.memory_space<hbm>>
    tpu.wait_indirect_dma semaphore(%arg21 : memref<!tpu.dma_semaphore, #tpu.memory_space<semaphore_mem>>) src(%dma_wait3A_19 : memref<500000x128xi32, #tpu.memory_space<hbm>>) dst(%arg17 : memref<128x128xi32, #tpu.memory_space<vmem>>)
    %dma_wait3A_20 = arith.constant 0 : i32
    %dma_wait3A_21 = arith.constant 0 : i32
    %dma_wait3A_22 = tpu.memref_slice %arg2[%dma_wait3A_20, %dma_wait3A_21] : memref<500000x128xi32, #tpu.memory_space<hbm>> -> memref<500000x128xi32, #tpu.memory_space<hbm>>
    tpu.wait_indirect_dma semaphore(%arg22 : memref<!tpu.dma_semaphore, #tpu.memory_space<semaphore_mem>>) src(%dma_wait3A_22 : memref<500000x128xi32, #tpu.memory_space<hbm>>) dst(%arg18 : memref<128x128xi32, #tpu.memory_space<vmem>>)
    %dma_wait3A_23 = arith.constant 0 : i32
    %dma_wait3A_24 = arith.constant 0 : i32
    %dma_wait3A_25 = tpu.memref_slice %arg3[%dma_wait3A_23, %dma_wait3A_24] : memref<7813x128xf32, #tpu.memory_space<hbm>> -> memref<7813x128xf32, #tpu.memory_space<hbm>>
    tpu.wait_indirect_dma semaphore(%arg23 : memref<!tpu.dma_semaphore, #tpu.memory_space<semaphore_mem>>) src(%dma_wait3A_25 : memref<7813x128xf32, #tpu.memory_space<hbm>>) dst(%arg19 : memref<128x128xf32, #tpu.memory_space<vmem>>)
    %dma_wait3A_26 = arith.constant 0 : i32
    %dma_wait3A_27 = arith.constant 0 : i32
    %dma_wait3A_28 = tpu.memref_slice %arg4[%dma_wait3A_26, %dma_wait3A_27] : memref<7813x128xf32, #tpu.memory_space<hbm>> -> memref<7813x128xf32, #tpu.memory_space<hbm>>
    tpu.wait_indirect_dma semaphore(%arg24 : memref<!tpu.dma_semaphore, #tpu.memory_space<semaphore_mem>>) src(%dma_wait3A_28 : memref<7813x128xf32, #tpu.memory_space<hbm>>) dst(%arg20 : memref<128x128xf32, #tpu.memory_space<vmem>>)
    "tpu.region"() ({
      %run_scoped3A = tpu.sem_alloc : memref<!tpu.dma_semaphore, #tpu.memory_space<semaphore_mem>>
      %dma_start3A_29 = arith.constant 0 : i32
      %dma_start3A_30 = tpu.memref_slice %arg7[%mul3A_2, %dma_start3A_29] : memref<4096x128xi32, #tpu.memory_space<hbm>> -> memref<128x128xi32, #tpu.memory_space<hbm>>
      %dma_start3A_31 = arith.constant 0 : i32
      %dma_start3A_32 = tpu.memref_slice %arg7[%mul3A_2, %dma_start3A_31] : memref<4096x128xi32, #tpu.memory_space<hbm>> -> memref<128x128xi32, #tpu.memory_space<hbm>>
      tpu.enqueue_dma source(%arg17 : memref<128x128xi32, #tpu.memory_space<vmem>>) target(%dma_start3A_32 : memref<128x128xi32, #tpu.memory_space<hbm>>) target_semaphore(%run_scoped3A : memref<!tpu.dma_semaphore, #tpu.memory_space<semaphore_mem>>)
      %dma_wait3A_33 = arith.constant 0 : i32
      %dma_wait3A_34 = tpu.memref_slice %arg7[%mul3A_2, %dma_wait3A_33] : memref<4096x128xi32, #tpu.memory_space<hbm>> -> memref<128x128xi32, #tpu.memory_space<hbm>>
      %dma_wait3A_35 = arith.constant 0 : i32
      %dma_wait3A_36 = tpu.memref_slice %arg7[%mul3A_2, %dma_wait3A_35] : memref<4096x128xi32, #tpu.memory_space<hbm>> -> memref<128x128xi32, #tpu.memory_space<hbm>>
      tpu.wait_dma2 semaphore(%run_scoped3A : memref<!tpu.dma_semaphore, #tpu.memory_space<semaphore_mem>>) src(%arg17 : memref<128x128xi32, #tpu.memory_space<vmem>>) dst(%dma_wait3A_36 : memref<128x128xi32, #tpu.memory_space<hbm>>)
      tpu.yield
    }) : () -> ()
    "tpu.region"() ({
      %run_scoped3A = tpu.sem_alloc : memref<!tpu.dma_semaphore, #tpu.memory_space<semaphore_mem>>
      %dma_start3A_29 = arith.constant 0 : i32
      %dma_start3A_30 = tpu.memref_slice %arg8[%mul3A_2, %dma_start3A_29] : memref<4096x128xi32, #tpu.memory_space<hbm>> -> memref<128x128xi32, #tpu.memory_space<hbm>>
      %dma_start3A_31 = arith.constant 0 : i32
      %dma_start3A_32 = tpu.memref_slice %arg8[%mul3A_2, %dma_start3A_31] : memref<4096x128xi32, #tpu.memory_space<hbm>> -> memref<128x128xi32, #tpu.memory_space<hbm>>
      tpu.enqueue_dma source(%arg18 : memref<128x128xi32, #tpu.memory_space<vmem>>) target(%dma_start3A_32 : memref<128x128xi32, #tpu.memory_space<hbm>>) target_semaphore(%run_scoped3A : memref<!tpu.dma_semaphore, #tpu.memory_space<semaphore_mem>>)
      %dma_wait3A_33 = arith.constant 0 : i32
      %dma_wait3A_34 = tpu.memref_slice %arg8[%mul3A_2, %dma_wait3A_33] : memref<4096x128xi32, #tpu.memory_space<hbm>> -> memref<128x128xi32, #tpu.memory_space<hbm>>
      %dma_wait3A_35 = arith.constant 0 : i32
      %dma_wait3A_36 = tpu.memref_slice %arg8[%mul3A_2, %dma_wait3A_35] : memref<4096x128xi32, #tpu.memory_space<hbm>> -> memref<128x128xi32, #tpu.memory_space<hbm>>
      tpu.wait_dma2 semaphore(%run_scoped3A : memref<!tpu.dma_semaphore, #tpu.memory_space<semaphore_mem>>) src(%arg18 : memref<128x128xi32, #tpu.memory_space<vmem>>) dst(%dma_wait3A_36 : memref<128x128xi32, #tpu.memory_space<hbm>>)
      tpu.yield
    }) : () -> ()
    "tpu.region"() ({
      %run_scoped3A = tpu.sem_alloc : memref<!tpu.dma_semaphore, #tpu.memory_space<semaphore_mem>>
      %dma_start3A_29 = arith.constant 0 : i32
      %dma_start3A_30 = tpu.memref_slice %arg9[%mul3A_2, %dma_start3A_29] : memref<4096x128xf32, #tpu.memory_space<hbm>> -> memref<128x128xf32, #tpu.memory_space<hbm>>
      %dma_start3A_31 = arith.constant 0 : i32
      %dma_start3A_32 = tpu.memref_slice %arg9[%mul3A_2, %dma_start3A_31] : memref<4096x128xf32, #tpu.memory_space<hbm>> -> memref<128x128xf32, #tpu.memory_space<hbm>>
      tpu.enqueue_dma source(%arg19 : memref<128x128xf32, #tpu.memory_space<vmem>>) target(%dma_start3A_32 : memref<128x128xf32, #tpu.memory_space<hbm>>) target_semaphore(%run_scoped3A : memref<!tpu.dma_semaphore, #tpu.memory_space<semaphore_mem>>)
      %dma_wait3A_33 = arith.constant 0 : i32
      %dma_wait3A_34 = tpu.memref_slice %arg9[%mul3A_2, %dma_wait3A_33] : memref<4096x128xf32, #tpu.memory_space<hbm>> -> memref<128x128xf32, #tpu.memory_space<hbm>>
      %dma_wait3A_35 = arith.constant 0 : i32
      %dma_wait3A_36 = tpu.memref_slice %arg9[%mul3A_2, %dma_wait3A_35] : memref<4096x128xf32, #tpu.memory_space<hbm>> -> memref<128x128xf32, #tpu.memory_space<hbm>>
      tpu.wait_dma2 semaphore(%run_scoped3A : memref<!tpu.dma_semaphore, #tpu.memory_space<semaphore_mem>>) src(%arg19 : memref<128x128xf32, #tpu.memory_space<vmem>>) dst(%dma_wait3A_36 : memref<128x128xf32, #tpu.memory_space<hbm>>)
      tpu.yield
    }) : () -> ()
    "tpu.region"() ({
      %run_scoped3A = tpu.sem_alloc : memref<!tpu.dma_semaphore, #tpu.memory_space<semaphore_mem>>
      %dma_start3A_29 = arith.constant 0 : i32
      %dma_start3A_30 = tpu.memref_slice %arg10[%mul3A_2, %dma_start3A_29] : memref<4096x128xf32, #tpu.memory_space<hbm>> -> memref<128x128xf32, #tpu.memory_space<hbm>>
      %dma_start3A_31 = arith.constant 0 : i32
      %dma_start3A_32 = tpu.memref_slice %arg10[%mul3A_2, %dma_start3A_31] : memref<4096x128xf32, #tpu.memory_space<hbm>> -> memref<128x128xf32, #tpu.memory_space<hbm>>
      tpu.enqueue_dma source(%arg20 : memref<128x128xf32, #tpu.memory_space<vmem>>) target(%dma_start3A_32 : memref<128x128xf32, #tpu.memory_space<hbm>>) target_semaphore(%run_scoped3A : memref<!tpu.dma_semaphore, #tpu.memory_space<semaphore_mem>>)
      %dma_wait3A_33 = arith.constant 0 : i32
      %dma_wait3A_34 = tpu.memref_slice %arg10[%mul3A_2, %dma_wait3A_33] : memref<4096x128xf32, #tpu.memory_space<hbm>> -> memref<128x128xf32, #tpu.memory_space<hbm>>
      %dma_wait3A_35 = arith.constant 0 : i32
      %dma_wait3A_36 = tpu.memref_slice %arg10[%mul3A_2, %dma_wait3A_35] : memref<4096x128xf32, #tpu.memory_space<hbm>> -> memref<128x128xf32, #tpu.memory_space<hbm>>
      tpu.wait_dma2 semaphore(%run_scoped3A : memref<!tpu.dma_semaphore, #tpu.memory_space<semaphore_mem>>) src(%arg20 : memref<128x128xf32, #tpu.memory_space<vmem>>) dst(%dma_wait3A_36 : memref<128x128xf32, #tpu.memory_space<hbm>>)
      tpu.yield
    }) : () -> ()
    return
  }
}

module attributes {stable_mosaic.version = 14 : i64} {
  func.func @body(%arg0: i32, %arg1: memref<64x32768xf32, #tpu.memory_space<vmem>>, %arg2: memref<64x32768xf32, #tpu.memory_space<vmem>>, %arg3: memref<16384x128xi32, #tpu.memory_space<vmem>>) attributes {dimension_semantics = [#tpu.dimension_semantics<arbitrary>], iteration_bounds = array<i64: 31>, scalar_prefetch = 0 : i64, scratch_operands = 0 : i64, tpu.core_type = #tpu.core_type<tc>, window_params = [{transform_indices = @transform_0, window_bounds = array<i64: 64, 32768>}, {transform_indices = @transform_1, window_bounds = array<i64: 64, 32768>}, {transform_indices = @transform_2, window_bounds = array<i64: 16384, 128>}]} {
    %get3A = arith.constant 0 : index
    %get3A_0 = arith.constant 0 : index
    %get3A_1 = vector.load %arg1[%get3A, %get3A_0] : memref<64x32768xf32, #tpu.memory_space<vmem>>, vector<64x32768xf32>
    %convert_element_type3A = arith.truncf %get3A_1 : vector<64x32768xf32> to vector<64x32768xbf16>
    %get3A_2 = arith.constant 0 : index
    %get3A_3 = arith.constant 0 : index
    %get3A_4 = vector.load %arg2[%get3A_2, %get3A_3] : memref<64x32768xf32, #tpu.memory_space<vmem>>, vector<64x32768xf32>
    %convert_element_type3A_5 = arith.truncf %get3A_4 : vector<64x32768xf32> to vector<64x32768xbf16>
    %concatenate3A = tpu.concatenate %convert_element_type3A, %convert_element_type3A_5 in 0 : vector<64x32768xbf16>, vector<64x32768xbf16> -> vector<128x32768xbf16>
    %iota3A = tpu.iota {dimensions = array<i32: 0>} : vector<128x128xi32>
    %iota3A_6 = tpu.iota {dimensions = array<i32: 1>} : vector<128x128xi32>
    %eq3A = arith.cmpi eq, %iota3A, %iota3A_6 : vector<128x128xi32>
    %convert_element_type3A_7 = arith.extui %eq3A : vector<128x128xi1> to vector<128x128xi32>
    %convert_element_type3A_8 = arith.sitofp %convert_element_type3A_7 : vector<128x128xi32> to vector<128x128xf32>
    %convert_element_type3A_9 = arith.truncf %convert_element_type3A_8 : vector<128x128xf32> to vector<128x128xbf16>
    %dot_general3A = arith.constant dense<0.000000e+00> : vector<32768x128xf32>
    %dot_general3A_10 = tpu.matmul %concatenate3A, %convert_element_type3A_9, %dot_general3A {dimension_numbers = #tpu.dot_dimension_numbers<[0], [0], [1], [1], [0, 1, 1, 1], [], []>, transpose_lhs_hint = false} : vector<128x32768xbf16>, vector<128x128xbf16>, vector<32768x128xf32> -> vector<32768x128xf32>
    %convert_element_type3A_11 = arith.truncf %dot_general3A_10 : vector<32768x128xf32> to vector<32768x128xbf16>
    %bitcast3A = tpu.bitcast %convert_element_type3A_11 : vector<32768x128xbf16> -> vector<16384x128xi32>
    %swap3A = arith.constant 0 : index
    %swap3A_12 = arith.constant 0 : index
    %swap3A_13 = vector.load %arg3[%swap3A, %swap3A_12] : memref<16384x128xi32, #tpu.memory_space<vmem>>, vector<16384x128xi32>
    tpu.vector_store %arg3[%swap3A, %swap3A_12], %bitcast3A {strides = array<i32>} : memref<16384x128xi32, #tpu.memory_space<vmem>>, vector<16384x128xi32>,
    return
  }
  func.func @transform_0(%arg0: i32) -> (i32, i32) {
    %c0_i32 = arith.constant 0 : i32
    %c0_i32_0 = arith.constant 0 : i32
    return %c0_i32, %arg0 : i32, i32
  }
  func.func @transform_1(%arg0: i32) -> (i32, i32) {
    %c0_i32 = arith.constant 0 : i32
    %c0_i32_0 = arith.constant 0 : i32
    return %c0_i32, %arg0 : i32, i32
  }
  func.func @transform_2(%arg0: i32) -> (i32, i32) {
    %c0_i32 = arith.constant 0 : i32
    %c0_i32_0 = arith.constant 0 : i32
    return %arg0, %c0_i32 : i32, i32
  }
}

module attributes {stable_mosaic.version = 14 : i64} {
  func.func @body(%arg0: i32, %arg1: memref<2048x128xi32, #tpu.memory_space<vmem>>, %arg2: memref<2048x128xi32, #tpu.memory_space<vmem>>, %arg3: memref<2048x128xf32, #tpu.memory_space<vmem>>, %arg4: memref<2048x128xf32, #tpu.memory_space<vmem>>, %arg5: memref<2048x1xi32, #tpu.memory_space<vmem>>, %arg6: memref<2048x1xi32, #tpu.memory_space<vmem>>, %arg7: memref<2048x64xbf16, #tpu.memory_space<vmem>>, %arg8: memref<2048x64xbf16, #tpu.memory_space<vmem>>, %arg9: memref<2048x1xf32, #tpu.memory_space<vmem>>, %arg10: memref<2048x1xf32, #tpu.memory_space<vmem>>) attributes {dimension_semantics = [#tpu.dimension_semantics<arbitrary>], iteration_bounds = array<i64: 2>, scalar_prefetch = 0 : i64, scratch_operands = 0 : i64, tpu.core_type = #tpu.core_type<tc>, window_params = [{transform_indices = @transform_0, window_bounds = array<i64: 2048, 128>}, {transform_indices = @transform_1, window_bounds = array<i64: 2048, 128>}, {transform_indices = @transform_2, window_bounds = array<i64: 2048, 128>}, {transform_indices = @transform_3, window_bounds = array<i64: 2048, 128>}, {transform_indices = @transform_4, window_bounds = array<i64: 2048, 1>}, {transform_indices = @transform_5, window_bounds = array<i64: 2048, 1>}, {transform_indices = @transform_6, window_bounds = array<i64: 2048, 64>}, {transform_indices = @transform_7, window_bounds = array<i64: 2048, 64>}, {transform_indices = @transform_8, window_bounds = array<i64: 2048, 1>}, {transform_indices = @transform_9, window_bounds = array<i64: 2048, 1>}]} {
    %get3A = arith.constant 0 : index
    %get3A_0 = arith.constant 0 : index
    %get3A_1 = vector.load %arg5[%get3A, %get3A_0] : memref<2048x1xi32, #tpu.memory_space<vmem>>, vector<2048x1xi32>
    %and3A = arith.constant 1 : i32
    %and3A_2 = vector.broadcast %and3A : i32 to vector<2048x1xi32>
    %and3A_3 = arith.andi %get3A_1, %and3A_2 : vector<2048x1xi32>
    %get3A_4 = arith.constant 0 : index
    %get3A_5 = arith.constant 0 : index
    %get3A_6 = vector.load %arg6[%get3A_4, %get3A_5] : memref<2048x1xi32, #tpu.memory_space<vmem>>, vector<2048x1xi32>
    %and3A_7 = arith.constant 1 : i32
    %and3A_8 = vector.broadcast %and3A_7 : i32 to vector<2048x1xi32>
    %and3A_9 = arith.andi %get3A_6, %and3A_8 : vector<2048x1xi32>
    %get3A_10 = arith.constant 0 : index
    %get3A_11 = arith.constant 0 : index
    %get3A_12 = vector.load %arg1[%get3A_10, %get3A_11] : memref<2048x128xi32, #tpu.memory_space<vmem>>, vector<2048x128xi32>
    %eq3A = arith.constant 0 : i32
    %eq3A_13 = vector.broadcast %eq3A : i32 to vector<2048x1xi32>
    %eq3A_14 = arith.cmpi eq, %and3A_3, %eq3A_13 : vector<2048x1xi32>
    %and3A_15 = arith.constant 65535 : i32
    %and3A_16 = vector.broadcast %and3A_15 : i32 to vector<2048x128xi32>
    %and3A_17 = arith.andi %get3A_12, %and3A_16 : vector<2048x128xi32>
    %shift_right_logical3A = arith.constant 16 : i32
    %shift_right_logical3A_18 = vector.broadcast %shift_right_logical3A : i32 to vector<2048x128xi32>
    %shift_right_logical3A_19 = arith.shrui %get3A_12, %shift_right_logical3A_18 : vector<2048x128xi32>
    %broadcast_in_dim3A = vector.shape_cast %eq3A_14 : vector<2048x1xi1> to vector<2048x1xi1>
    %broadcast_in_dim3A_20 = vector.broadcast %broadcast_in_dim3A : vector<2048x1xi1> to vector<2048x128xi1>
    %select_n3A = arith.select %broadcast_in_dim3A_20, %and3A_17, %shift_right_logical3A_19 : vector<2048x128xi1>, vector<2048x128xi32>
    %shift_left3A = arith.constant 16 : i32
    %shift_left3A_21 = vector.broadcast %shift_left3A : i32 to vector<2048x128xi32>
    %shift_left3A_22 = arith.shli %select_n3A, %shift_left3A_21 : vector<2048x128xi32>
    %bitcast_convert_type3A = tpu.bitcast %shift_left3A_22 : vector<2048x128xi32> -> vector<2048x128xf32>
    %slice3A = vector.extract_strided_slice %bitcast_convert_type3A {offsets = [0, 0], sizes = [2048, 64], strides = [1, 1]} : vector<2048x128xf32> to vector<2048x64xf32>
    %convert_element_type3A = arith.truncf %slice3A : vector<2048x64xf32> to vector<2048x64xbf16>
    %swap3A = arith.constant 0 : index
    %swap3A_23 = arith.constant 0 : index
    %swap3A_24 = vector.load %arg7[%swap3A, %swap3A_23] : memref<2048x64xbf16, #tpu.memory_space<vmem>>, vector<2048x64xbf16>
    tpu.vector_store %arg7[%swap3A, %swap3A_23], %convert_element_type3A {strides = array<i32>} : memref<2048x64xbf16, #tpu.memory_space<vmem>>, vector<2048x64xbf16>,
    %get3A_25 = arith.constant 0 : index
    %get3A_26 = arith.constant 0 : index
    %get3A_27 = vector.load %arg2[%get3A_25, %get3A_26] : memref<2048x128xi32, #tpu.memory_space<vmem>>, vector<2048x128xi32>
    %eq3A_28 = arith.constant 0 : i32
    %eq3A_29 = vector.broadcast %eq3A_28 : i32 to vector<2048x1xi32>
    %eq3A_30 = arith.cmpi eq, %and3A_9, %eq3A_29 : vector<2048x1xi32>
    %and3A_31 = arith.constant 65535 : i32
    %and3A_32 = vector.broadcast %and3A_31 : i32 to vector<2048x128xi32>
    %and3A_33 = arith.andi %get3A_27, %and3A_32 : vector<2048x128xi32>
    %shift_right_logical3A_34 = arith.constant 16 : i32
    %shift_right_logical3A_35 = vector.broadcast %shift_right_logical3A_34 : i32 to vector<2048x128xi32>
    %shift_right_logical3A_36 = arith.shrui %get3A_27, %shift_right_logical3A_35 : vector<2048x128xi32>
    %broadcast_in_dim3A_37 = vector.shape_cast %eq3A_30 : vector<2048x1xi1> to vector<2048x1xi1>
    %broadcast_in_dim3A_38 = vector.broadcast %broadcast_in_dim3A_37 : vector<2048x1xi1> to vector<2048x128xi1>
    %select_n3A_39 = arith.select %broadcast_in_dim3A_38, %and3A_33, %shift_right_logical3A_36 : vector<2048x128xi1>, vector<2048x128xi32>
    %shift_left3A_40 = arith.constant 16 : i32
    %shift_left3A_41 = vector.broadcast %shift_left3A_40 : i32 to vector<2048x128xi32>
    %shift_left3A_42 = arith.shli %select_n3A_39, %shift_left3A_41 : vector<2048x128xi32>
    %bitcast_convert_type3A_43 = tpu.bitcast %shift_left3A_42 : vector<2048x128xi32> -> vector<2048x128xf32>
    %slice3A_44 = vector.extract_strided_slice %bitcast_convert_type3A_43 {offsets = [0, 64], sizes = [2048, 64], strides = [1, 1]} : vector<2048x128xf32> to vector<2048x64xf32>
    %convert_element_type3A_45 = arith.truncf %slice3A_44 : vector<2048x64xf32> to vector<2048x64xbf16>
    %swap3A_46 = arith.constant 0 : index
    %swap3A_47 = arith.constant 0 : index
    %swap3A_48 = vector.load %arg8[%swap3A_46, %swap3A_47] : memref<2048x64xbf16, #tpu.memory_space<vmem>>, vector<2048x64xbf16>
    tpu.vector_store %arg8[%swap3A_46, %swap3A_47], %convert_element_type3A_45 {strides = array<i32>} : memref<2048x64xbf16, #tpu.memory_space<vmem>>, vector<2048x64xbf16>,
    %iota3A = tpu.iota {dimensions = array<i32: 1>} : vector<2048x128xi32>
    %get3A_49 = arith.constant 0 : index
    %get3A_50 = arith.constant 0 : index
    %get3A_51 = vector.load %arg5[%get3A_49, %get3A_50] : memref<2048x1xi32, #tpu.memory_space<vmem>>, vector<2048x1xi32>
    %and3A_52 = arith.constant 127 : i32
    %and3A_53 = vector.broadcast %and3A_52 : i32 to vector<2048x1xi32>
    %and3A_54 = arith.andi %get3A_51, %and3A_53 : vector<2048x1xi32>
    %eq3A_55 = vector.broadcast %and3A_54 : vector<2048x1xi32> to vector<2048x128xi32>
    %eq3A_56 = arith.cmpi eq, %iota3A, %eq3A_55 : vector<2048x128xi32>
    %get3A_57 = arith.constant 0 : index
    %get3A_58 = arith.constant 0 : index
    %get3A_59 = vector.load %arg3[%get3A_57, %get3A_58] : memref<2048x128xf32, #tpu.memory_space<vmem>>, vector<2048x128xf32>
    %jit3A = arith.constant 0.000000e+00 : f32
    %broadcast_in_dim3A_60 = vector.broadcast %jit3A : f32 to vector<2048x128xf32>
    %select_n3A_61 = arith.select %eq3A_56, %get3A_59, %broadcast_in_dim3A_60 : vector<2048x128xi1>, vector<2048x128xf32>
    %reduce_sum3A = arith.constant dense<0.000000e+00> : vector<2048xf32>
    %reduce_sum3A_62 = vector.multi_reduction <add>, %select_n3A_61, %reduce_sum3A [1] : vector<2048x128xf32> to vector<2048xf32>
    %broadcast_in_dim3A_63 = vector.shape_cast %reduce_sum3A_62 : vector<2048xf32> to vector<2048x1xf32>
    %swap3A_64 = arith.constant 0 : index
    %swap3A_65 = arith.constant 0 : index
    %swap3A_66 = vector.load %arg9[%swap3A_64, %swap3A_65] : memref<2048x1xf32, #tpu.memory_space<vmem>>, vector<2048x1xf32>
    tpu.vector_store %arg9[%swap3A_64, %swap3A_65], %broadcast_in_dim3A_63 {strides = array<i32>} : memref<2048x1xf32, #tpu.memory_space<vmem>>, vector<2048x1xf32>,
    %get3A_67 = arith.constant 0 : index
    %get3A_68 = arith.constant 0 : index
    %get3A_69 = vector.load %arg6[%get3A_67, %get3A_68] : memref<2048x1xi32, #tpu.memory_space<vmem>>, vector<2048x1xi32>
    %and3A_70 = arith.constant 127 : i32
    %and3A_71 = vector.broadcast %and3A_70 : i32 to vector<2048x1xi32>
    %and3A_72 = arith.andi %get3A_69, %and3A_71 : vector<2048x1xi32>
    %eq3A_73 = vector.broadcast %and3A_72 : vector<2048x1xi32> to vector<2048x128xi32>
    %eq3A_74 = arith.cmpi eq, %iota3A, %eq3A_73 : vector<2048x128xi32>
    %get3A_75 = arith.constant 0 : index
    %get3A_76 = arith.constant 0 : index
    %get3A_77 = vector.load %arg4[%get3A_75, %get3A_76] : memref<2048x128xf32, #tpu.memory_space<vmem>>, vector<2048x128xf32>
    %jit3A_78 = arith.constant 0.000000e+00 : f32
    %broadcast_in_dim3A_79 = vector.broadcast %jit3A_78 : f32 to vector<2048x128xf32>
    %select_n3A_80 = arith.select %eq3A_74, %get3A_77, %broadcast_in_dim3A_79 : vector<2048x128xi1>, vector<2048x128xf32>
    %reduce_sum3A_81 = arith.constant dense<0.000000e+00> : vector<2048xf32>
    %reduce_sum3A_82 = vector.multi_reduction <add>, %select_n3A_80, %reduce_sum3A_81 [1] : vector<2048x128xf32> to vector<2048xf32>
    %broadcast_in_dim3A_83 = vector.shape_cast %reduce_sum3A_82 : vector<2048xf32> to vector<2048x1xf32>
    %swap3A_84 = arith.constant 0 : index
    %swap3A_85 = arith.constant 0 : index
    %swap3A_86 = vector.load %arg10[%swap3A_84, %swap3A_85] : memref<2048x1xf32, #tpu.memory_space<vmem>>, vector<2048x1xf32>
    tpu.vector_store %arg10[%swap3A_84, %swap3A_85], %broadcast_in_dim3A_83 {strides = array<i32>} : memref<2048x1xf32, #tpu.memory_space<vmem>>, vector<2048x1xf32>,
    return
  }
  func.func @transform_0(%arg0: i32) -> (i32, i32) {
    %c0_i32 = arith.constant 0 : i32
    %c0_i32_0 = arith.constant 0 : i32
    return %arg0, %c0_i32 : i32, i32
  }
  func.func @transform_1(%arg0: i32) -> (i32, i32) {
    %c0_i32 = arith.constant 0 : i32
    %c0_i32_0 = arith.constant 0 : i32
    return %arg0, %c0_i32 : i32, i32
  }
  func.func @transform_2(%arg0: i32) -> (i32, i32) {
    %c0_i32 = arith.constant 0 : i32
    %c0_i32_0 = arith.constant 0 : i32
    return %arg0, %c0_i32 : i32, i32
  }
  func.func @transform_3(%arg0: i32) -> (i32, i32) {
    %c0_i32 = arith.constant 0 : i32
    %c0_i32_0 = arith.constant 0 : i32
    return %arg0, %c0_i32 : i32, i32
  }
  func.func @transform_4(%arg0: i32) -> (i32, i32) {
    %c0_i32 = arith.constant 0 : i32
    %c0_i32_0 = arith.constant 0 : i32
    return %arg0, %c0_i32 : i32, i32
  }
  func.func @transform_5(%arg0: i32) -> (i32, i32) {
    %c0_i32 = arith.constant 0 : i32
    %c0_i32_0 = arith.constant 0 : i32
    return %arg0, %c0_i32 : i32, i32
  }
  func.func @transform_6(%arg0: i32) -> (i32, i32) {
    %c0_i32 = arith.constant 0 : i32
    %c0_i32_0 = arith.constant 0 : i32
    return %arg0, %c0_i32 : i32, i32
  }
  func.func @transform_7(%arg0: i32) -> (i32, i32) {
    %c0_i32 = arith.constant 0 : i32
    %c0_i32_0 = arith.constant 0 : i32
    return %arg0, %c0_i32 : i32, i32
  }
  func.func @transform_8(%arg0: i32) -> (i32, i32) {
    %c0_i32 = arith.constant 0 : i32
    %c0_i32_0 = arith.constant 0 : i32
    return %arg0, %c0_i32 : i32, i32
  }
  func.func @transform_9(%arg0: i32) -> (i32, i32) {
    %c0_i32 = arith.constant 0 : i32
    %c0_i32_0 = arith.constant 0 : i32
    return %arg0, %c0_i32 : i32, i32
  }
}

module attributes {stable_mosaic.version = 14 : i64} {
  func.func @body(%arg0: i32, %arg1: memref<512x64xbf16, #tpu.memory_space<vmem>>, %arg2: memref<4096x64xbf16, #tpu.memory_space<vmem>>, %arg3: memref<512x1xf32, #tpu.memory_space<vmem>>, %arg4: memref<1x4096xf32, #tpu.memory_space<vmem>>, %arg5: memref<512x4096xf32, #tpu.memory_space<vmem>>) attributes {dimension_semantics = [#tpu.dimension_semantics<arbitrary>], iteration_bounds = array<i64: 8>, scalar_prefetch = 0 : i64, scratch_operands = 0 : i64, tpu.core_type = #tpu.core_type<tc>, window_params = [{transform_indices = @transform_0, window_bounds = array<i64: 512, 64>}, {pipeline_mode = #tpu.pipeline_mode<synchronous>, transform_indices = @transform_1, window_bounds = array<i64: 4096, 64>}, {transform_indices = @transform_2, window_bounds = array<i64: 512, 1>}, {pipeline_mode = #tpu.pipeline_mode<synchronous>, transform_indices = @transform_3, window_bounds = array<i64: 1, 4096>}, {transform_indices = @transform_4, window_bounds = array<i64: 512, 4096>}]} {
    %get3A = arith.constant 0 : index
    %get3A_0 = arith.constant 0 : index
    %get3A_1 = vector.load %arg1[%get3A, %get3A_0] : memref<512x64xbf16, #tpu.memory_space<vmem>>, vector<512x64xbf16>
    %get3A_2 = arith.constant 0 : index
    %get3A_3 = arith.constant 0 : index
    %get3A_4 = vector.load %arg2[%get3A_2, %get3A_3] : memref<4096x64xbf16, #tpu.memory_space<vmem>>, vector<4096x64xbf16>
    %dot_general3A = arith.constant dense<0.000000e+00> : vector<512x4096xf32>
    %dot_general3A_5 = tpu.matmul %get3A_1, %get3A_4, %dot_general3A {dimension_numbers = #tpu.dot_dimension_numbers<[1], [1], [0], [0], [0, 0, 1, 0], [], []>, transpose_lhs_hint = false} : vector<512x64xbf16>, vector<4096x64xbf16>, vector<512x4096xf32> -> vector<512x4096xf32>
    %get3A_6 = arith.constant 0 : index
    %get3A_7 = arith.constant 0 : index
    %get3A_8 = vector.load %arg3[%get3A_6, %get3A_7] : memref<512x1xf32, #tpu.memory_space<vmem>>, vector<512x1xf32>
    %add3A = vector.broadcast %get3A_8 : vector<512x1xf32> to vector<512x4096xf32>
    %add3A_9 = arith.addf %dot_general3A_5, %add3A : vector<512x4096xf32>
    %get3A_10 = arith.constant 0 : index
    %get3A_11 = arith.constant 0 : index
    %get3A_12 = vector.load %arg4[%get3A_10, %get3A_11] : memref<1x4096xf32, #tpu.memory_space<vmem>>, vector<1x4096xf32>
    %add3A_13 = vector.broadcast %get3A_12 : vector<1x4096xf32> to vector<512x4096xf32>
    %add3A_14 = arith.addf %add3A_9, %add3A_13 : vector<512x4096xf32>
    %swap3A = arith.constant 0 : index
    %swap3A_15 = arith.constant 0 : index
    %swap3A_16 = vector.load %arg5[%swap3A, %swap3A_15] : memref<512x4096xf32, #tpu.memory_space<vmem>>, vector<512x4096xf32>
    tpu.vector_store %arg5[%swap3A, %swap3A_15], %add3A_14 {strides = array<i32>} : memref<512x4096xf32, #tpu.memory_space<vmem>>, vector<512x4096xf32>,
    return
  }
  func.func @transform_0(%arg0: i32) -> (i32, i32) {
    %c0_i32 = arith.constant 0 : i32
    %c0_i32_0 = arith.constant 0 : i32
    return %arg0, %c0_i32 : i32, i32
  }
  func.func @transform_1(%arg0: i32) -> (i32, i32) {
    %c0_i32 = arith.constant 0 : i32
    %c0_i32_0 = arith.constant 0 : i32
    %c0_i32_1 = arith.constant 0 : i32
    return %c0_i32, %c0_i32_0 : i32, i32
  }
  func.func @transform_2(%arg0: i32) -> (i32, i32) {
    %c0_i32 = arith.constant 0 : i32
    %c0_i32_0 = arith.constant 0 : i32
    return %arg0, %c0_i32 : i32, i32
  }
  func.func @transform_3(%arg0: i32) -> (i32, i32) {
    %c0_i32 = arith.constant 0 : i32
    %c0_i32_0 = arith.constant 0 : i32
    %c0_i32_1 = arith.constant 0 : i32
    return %c0_i32, %c0_i32_0 : i32, i32
  }
  func.func @transform_4(%arg0: i32) -> (i32, i32) {
    %c0_i32 = arith.constant 0 : i32
    %c0_i32_0 = arith.constant 0 : i32
    return %arg0, %c0_i32 : i32, i32
  }
}

</mosaic_0001>

<sc_bundles>
// kernel: kernel.6.cloned.1.call-start
scs
__scs_entry_jumppad:
0x0: {  	(pc) =	sbr.rel $0x88, $3  }
0x1: {  	(tag) =	ssettag $0x0;
	lr =	simm.s32 $0x1  }
0x2: {  	[smem:$0x3F9B] =	sst lr;
	_ =	strace $0xD0000000  }
0x3: {  	_ = 	snop  }
0x4: {  	_ = 	snop  }
0x5: {  	_ = 	snop  }
0x6: {  	_ = 	snop  }
0x7: {  	_ = 	snop  }
__scs_overlays_trampoline_lowered:
0x8: {  	[smem:$0x3FAA] =	sst s0  }
0x9: {  	[smem:$0x3FAB] =	sst s1  }
0xa: {  	[smem:$0x3FAC] =	sst s2  }
0xb: {  	[smem:$0x3FAD] =	sst s3  }
0xc: {  	[smem:$0x3FAE] =	sst s4  }
0xd: {  	[smem:$0x3FAF] =	sst s5  }
0xe: {  	[smem:$0x3FB0] =	sst s6  }
0xf: {  	[smem:$0x3FB1] =	sst s7  }
0x10: {  	[smem:$0x3FB2] =	sst s8  }
0x11: {  	[smem:$0x3FB3] =	sst s9;
	s0 =	simm.s32 @!p0 $0x0  }
0x12: {  	s1 =	sld [smem:$0x3F99];
	s0 =	simm.s32 @p0 $0x1  }
0x13: {  	[smem:$0x3FB4] =	sst s0;
	s0 =	simm.s32 @!p1 $0x0  }
0x14: {  	s2 =	sld [smem:$0x3F98];
	s0 =	simm.s32 @p1 $0x1  }
0x15: {  	[smem:$0x3FB5] =	sst s0;
	s0 =	simm.s32 @!p2 $0x0  }
0x16: {  	s3 =	sld [smem:$0x3FDB];
	s0 =	simm.s32 @p2 $0x1  }
0x17: {  	s4 =	simm.s32 $0x1BF5;
	[smem:$0x3FB7] =	sst s0  }
0x18: {  	s0 =	sld [smem:$0x3F9A];
	_ =	swait.ge [sflag:s4], $0x0  }
0x19: {  	s7 =	sld [smem:$0x3F9B]  }
0x1a: {  	s8 =	sadd.s32 $0xFFFFE003, lr  }
0x1b: {  	s9 =	sadd.s32 $0xFFFFFEF7, lr;
	s5 =	simm.s32 $0xFFFFFFFF;
	p2 =	slt.u32 s8, $0xFFFFF086  }
0x1c: {  	p1 =	slt.u32 s9, $0xF7A;
	s5 =	simm.s32 @!p2 $0x0  }
0x1d: {  	s5 =	simm.s32 @p1 $0x1;
	p0 =	seq.s32 s7, s2  }
0x1e: {  	s7 =	smul.u32 @!p0 $0xF7A, s2;
	p2 =	seq.s32 @!p0 s5, $0x0  }
0x1f: {  	s9 =	smul.u32 $0xF7A, s1;
	s8 =	simm.s32 @!p0 $0x1BF5;
	p2 =	por !p2, p0  }
0x20: {  	[sflag:s8] =	ssyncset.s32 @!p0 $0xFFFFF086;
	s6 =	sadd.s32 @!p0 s3, s7;
	s7 =	simm.s32 @!p0 $0x108  }
0x21: {  	s3 =	sadd.s32 s3, s9;
	s6 =	sadd.s32 @!p0 $0x88, s6;
	s7 =	simm.s32 @p2 $0x1082  }
0x22: {  	[simem:s7], [sflag:s8] =	dma.local @!p0 [hbm:s6], $0xF7A  }
0x23: {  	s9 =	sor.u32 $0xD0000000, s2;
	s6 =	simm.s32 $0x108;
	_ =	swait.ge @!p0 [sflag:s8], $0x0  }
0x24: {  	s3 =	sadd.s32 $0x88, s3;
	s6 =	simm.s32 @!p1 $0x1082;
	[sflag:s4] =	ssyncset.s32 $0xFFFFF086  }
0x25: {  	[simem:s6], [sflag:s4] =	dma.local [hbm:s3], $0xF7A  }
0x26: {  	[smem:$0x3F9B] =	sst s1;
	(tag) =	ssettag s2;
	_ =	strace s9  }
0x27: {  	s1 =	sld [smem:$0x3FAB]  }
0x28: {  	s2 =	sld [smem:$0x3FAC]  }
0x29: {  	s4 =	sld [smem:$0x3FAE]  }
0x2a: {  	p0 =	seq.s32 s5, $0x0;
	s5 =	sld [smem:$0x3FAF]  }
0x2b: {  	s6 =	sld [smem:$0x3FB0]  }
0x2c: {  	s7 =	sld [smem:$0x3FB1]  }
0x2d: {  	s3 =	simm.s32 $0x108;
	s8 =	sld [smem:$0x3FB2]  }
0x2e: {  	s3 =	simm.s32 @!p0 $0x1082;
	s9 =	sld [smem:$0x3FB3]  }
0x2f: {  	lr =	sadd.s32 s0, s3;
	s0 =	sld [smem:$0x3FAA]  }
0x30: {  	s3 =	sld [smem:$0x3FAD]  }
0x31: {  	[smem:$0x3FB6] =	sst s10  }
0x32: {  	s10 =	sld [smem:$0x3FB4];
	_ =	sdelay $0x3  }
0x33: {  	p0 =	seq.s32 s10, $0x1;
	s10 =	sld [smem:$0x3FB6];
	_ =	sdelay $0x3  }
0x34: {  	[smem:$0x3FB6] =	sst s10  }
0x35: {  	s10 =	sld [smem:$0x3FB5];
	_ =	sdelay $0x3  }
0x36: {  	p1 =	seq.s32 s10, $0x1;
	s10 =	sld [smem:$0x3FB6];
	_ =	sdelay $0x3  }
0x37: {  	[smem:$0x3FB6] =	sst s10  }
0x38: {  	s10 =	sld [smem:$0x3FB7]  }
0x39: {  	_ = 	snop;
	(pc) =	sbr.ind lr, $3  }
0x3a: {  	_ = 	snop  }
0x3b: {  	_ = 	snop  }
0x3c: {  	p2 =	seq.s32 s10, $0x1;
	s10 =	sld [smem:$0x3FB6]  }
0x3d: {  	_ =	shalt  }
0x3e: {  	_ =	shalt  }
0x3f: {  	_ =	shalt  }
0x40: {  	_ =	shalt  }
0x41: {  	_ =	shalt  }
0x42: {  	_ =	shalt  }
0x43: {  	_ =	shalt  }
0x44: {  	_ =	shalt  }
0x45: {  	_ =	shalt  }
0x46: {  	_ =	shalt  }
0x47: {  	_ =	shalt  }
0x48: {  	_ =	shalt  }
0x49: {  	_ =	shalt  }
0x4a: {  	_ =	shalt  }
0x4b: {  	_ =	shalt  }
0x4c: {  	_ =	shalt  }
0x4d: {  	_ =	shalt  }
0x4e: {  	_ =	shalt  }
0x4f: {  	_ =	shalt  }
0x50: {  	_ =	shalt  }
0x51: {  	_ =	shalt  }
0x52: {  	_ =	shalt  }
0x53: {  	_ =	shalt  }
0x54: {  	_ =	shalt  }
0x55: {  	_ =	shalt  }
0x56: {  	_ =	shalt  }
0x57: {  	_ =	shalt  }
0x58: {  	_ =	shalt  }
0x59: {  	_ =	shalt  }
0x5a: {  	_ =	shalt  }
0x5b: {  	_ =	shalt  }
0x5c: {  	_ =	shalt  }
0x5d: {  	_ =	shalt  }
0x5e: {  	_ =	shalt  }
0x5f: {  	_ =	shalt  }
0x60: {  	_ =	shalt  }
0x61: {  	_ =	shalt  }
0x62: {  	_ =	shalt  }
0x63: {  	_ =	shalt  }
0x64: {  	_ =	shalt  }
0x65: {  	_ =	shalt  }
0x66: {  	_ =	shalt  }
0x67: {  	_ =	shalt  }
0x68: {  	_ =	shalt  }
0x69: {  	_ =	shalt  }
0x6a: {  	_ =	shalt  }
0x6b: {  	_ =	shalt  }
0x6c: {  	_ =	shalt  }
0x6d: {  	_ =	shalt  }
0x6e: {  	_ =	shalt  }
0x6f: {  	_ =	shalt  }
0x70: {  	_ =	shalt  }
0x71: {  	_ =	shalt  }
0x72: {  	_ =	shalt  }
0x73: {  	_ =	shalt  }
0x74: {  	_ =	shalt  }
0x75: {  	_ =	shalt  }
0x76: {  	_ =	shalt  }
0x77: {  	_ =	shalt  }
0x78: {  	_ =	shalt  }
0x79: {  	_ =	shalt  }
0x7a: {  	_ =	shalt  }
0x7b: {  	_ =	shalt  }
0x7c: {  	_ =	shalt  }
0x7d: {  	_ =	shalt  }
0x7e: {  	_ =	shalt  }
0x7f: {  	_ =	shalt  }
0x80: {  	_ =	shalt  }
0x81: {  	_ =	shalt  }
0x82: {  	_ =	shalt  }
0x83: {  	_ =	shalt  }
0x84: {  	_ =	shalt  }
0x85: {  	_ =	shalt  }
0x86: {  	_ =	shalt  }
0x87: {  	_ =	shalt  }
.Lfunc_end0:
.L_simem_size_0:
called_computation_lowered:
.L_overlay_start_0:
0x88: {  	s2 =	sld [smem:$0x3FD9]  }
0x89: {  	s3 =	sld [smem:$0x3FFE];
	_ =	sdelay $0x1  }
0x8a: {  	s1 =	srdreg.scid  }
0x8b: {  	s0 =	sand.u32 $0x1, s1  }
0x8c: {  	s17 =	sshll.u32 s0, $0xA;
	s2 =	sadd.s32 s3, s2  }
0x8d: {  	s2 =	sadd.s32 s2, s17  }
0x8e: {  	[smem:$0x3FC2] =	sst s2  }
0x8f: {  	_ = 	snop  }
0x90: {  	s2 =	sld [smem:$0x3FC9]  }
0x91: {  	s18 =	sld [smem:$0x3FC8]  }
0x92: {  	s4 =	sld [smem:$0x3FD0];
	(tm) =	ssettm $0x1  }
0x93: {  	s5 =	sld [smem:$0x3FFB];
	_ =	sdelay $0x3  }
0x94: {  	_ =	strace s5  }
0x95: {  	s5 =	sld [smem:$0x3FFC];
	_ =	sdelay $0x3  }
0x96: {  	_ =	strace s5  }
0x97: {  	s5 =	sld [smem:$0x3FFD];
	_ =	sdelay $0x3  }
0x98: {  	_ =	strace s5  }
0x99: {  	_ =	strace $0x8FFFFFFF  }
0x9a: {  	s19 =	sld [smem:$0x3FDB];
	_ =	sdelay $0x1  }
0x9b: {  	s6 =	simm.s32 $_scs_section_size  }
0x9c: {  	s7 =	simm.s32 $_size__tile_overlayer_lowered;
	s8 =	simm.s32 $_tile_overlayer_lowered  }
0x9d: {  	s22 =	simm.s32 $0x1BFF;
	s21 =	sshll.u32 s8, $0x1;
	s5 =	sadd.s32 s6, s19  }
0x9e: {  	s9 =	simm.s32 $0x0;
	s20 =	sshll.u32 s7, $0x1;
	s7 =	sadd.s32 s21, s5  }
0x9f: {  	[timem:s9], [sflag:s22] =	dma.local [hbm:s7], s20  }
0xa0: {  	_ =	swait.ge [sflag:s22], s20  }
0xa1: {  	s6 =	ssub.s32 $0x0, s20;
	[sflag:s22] =	ssyncset.done $0x0  }
0xa2: {  	[sflag:s22] =	ssyncadd.s32 s6;
	_ =	sdelay $0x1  }
0xa3: {  	s23 =	simm.s32 $0x1B8B  }
0xa4: {  	_ =	swait.ge [sflag:s23], $0x1  }
0xa5: {  	[sflag:s23] =	ssyncset.done $0x0  }
0xa6: {  	s25 =	simm.s32 $0x1B8E;
	s24 =	sld [smem:$0x3FFE];
	[sflag:s23] =	ssyncadd.s32 $0xFFFFFFFF  }
0xa7: {  	s26 =	simm.s32 $execute0_lowered;
	[smem:$0x3FD2] =	sst s25  }
0xa8: {  	s7 =	sshll.u32 s26, $0x1;
	_ =	strace $0x80000046;
	[dreg:$0x1] =	wrdreg $0xFFFFFFFF  }
0xa9: {  	s28 =	simm.s32 $_size_execute0_lowered;
	s5 =	sadd.s32 s5, s7;
	[dreg:$0x0] =	wrdreg $0x0  }
0xaa: {  	s7 =	sshll.u32 s28, $0x1;
	[dreg:$0x2] =	wrdreg s5  }
0xab: {  	[dreg:$0x3] =	wrdreg s7  }
0xac: {  	[dreg:$0x4] =	wrdreg $0xC0  }
0xad: {  	_ =	task [dreg:s9], $0x5FFFF  }
0xae: {  	[dreg:$0x1] =	wrdreg $0xFFFFFFFF  }
0xaf: {  	[dreg:$0x0] =	wrdreg $0x60  }
0xb0: {  	[dreg:$0x2] =	wrdreg s24  }
0xb1: {  	[dreg:$0x3] =	wrdreg s4  }
0xb2: {  	[dreg:$0x4] =	wrdreg s2  }
0xb3: {  	[dreg:$0x5] =	wrdreg s18  }
0xb4: {  	[dreg:$0x6] =	wrdreg $0x9  }
0xb5: {  	_ =	task.clear_ibuf [dreg:s9], $0x7FFFF;
	_ =	strace $0x90000046  }
0xb6: {  	s29 =	simm.s32 $0x9;
	_ =	strace $0x80000048  }
0xb7: {  	_ =	swait.ge [sflag:s29], $0x1  }
0xb8: {  	[sflag:s29] =	ssyncadd.s32 $0xFFFFFFFF  }
0xb9: {  	_ =	strace $0x90000048  }
0xba: {  	_ =	sfence  }
0xbb: {  	s30 =	sld [smem:$0x0];
	_ =	sdelay $0x2  }
0xbc: {  	s31 =	sshll.u32 s1, $0xD;
	s1 =	sshrl.u32 s1, $0x2  }
0xbd: {  	s3 =	sand.u32 $0x4000, s31;
	s1 =	sadd.s32 s1, s30  }
0xbe: {  	s0 =	sor.u32 s3, s0;
	s1 =	sshll.u32 s1, $0x11  }
0xbf: {  	s0 =	sor.u32 s1, s0  }
0xc0: {  	s0 =	sadd.s32 $0x8F2B, s0  }
0xc1: {  	[sflag:s0] =	ssyncadd.remote.s32 $0x1  }
0xc2: {  	_ =	sfence.sel $0xFFFF  }
0xc3: {  	[dreg:$0x0] =	wrdreg $0xFFFFFFFF;
	(pc) =	sbr.abs _section_cstart, $3  }
0xc4: {  	[dreg:$0x1] =	wrdreg $0xFFFFFFFF  }
0xc5: {  	_ =	task.clear_ibuf [dreg:s9], $0x2FFFF;
	_ =	strace $0x9FFFFFFF  }
0xc6: {  	(tm) =	ssettm $0x7FFFFFFF  }
0xc7: {  	_ =	shalt  }
tec
execute0_lowered:
.L_overlay_start_1:
0x0: {  	(tag) =	ssettag $0x1  }
0x1: {  	s8 =	rddreg [dreg:$0x0]  }
0x2: {  	s4 =	rddreg [dreg:$0x1];
	s1 =	srdreg.scid  }
0x3: {  	s3 =	rddreg [dreg:$0x2];
	s0 =	stileid.u32;
	s9 =	sand.u32 $0x1, s1  }
0x4: {  	s6 =	rddreg [dreg:$0x3];
	s5 =	sshll.u32 s0, $0x8;
	s7 =	sshll.u32 s9, $0x7  }
0x5: {  	s2 =	simm.s32 $0x0;
	s1 =	rddreg [dreg:$0x4];
	s10 =	sor.u32 s7, s5  }
0x6: {  	[smem:$0x7FF] =	sst s2;
	s7 =	sshrl.u32 s10, $0x3  }
0x7: {  	_ =	strace $0x80000047;
	s5 =	sadd.s32 s3, s7;
	s3 =	simm.s32 $0x5  }
0x8: {  	[tilespmem:s2], [sflag:$0x5] =	stream.linear.gather [hbm4b:s5+s2], $0x80, $0x38;
	[tilespmem:$0x10300] =	vst v63  }
0x9: {  	_ =	swait.ge [sflag:s3], $0x80  }
0xa: {  	[sflag:s3] =	ssyncset.done $0x0  }
0xb: {  	s7 =	sadd.s32 s6, s7;
	s6 =	simm.s32 $0x80;
	[sflag:s3] =	ssyncadd.s32 $0xFFFFFF80  }
0xc: {  	[tilespmem:s6], [sflag:$0x5] =	stream.linear.gather [hbm4b:s7+s2], $0x80, $0x38;
	[tilespmem:$0x10300] =	vst v63  }
0xd: {  	_ =	swait.ge [sflag:s3], $0x80  }
0xe: {  	[sflag:s3] =	ssyncset.done $0x0  }
0xf: {  	[sflag:s3] =	ssyncadd.s32 $0xFFFFFF80  }
0x10: {  	v0 =	vld [tilespmem:$0xF0]  }
0x11: {  	v1 =	vld [tilespmem:$0x70]  }
0x12: {  	v2 =	vld [tilespmem:$0xC0]  }
0x13: {  	v3 =	vld [tilespmem:$0xF0]  }
0x14: {  	v4 =	vld [tilespmem:$0x70]  }
0x15: {  	v5 =	vld [tilespmem:$0xE0];
	v0 =	vshra.s32 v0, $0x7  }
0x16: {  	v6 =	vld [tilespmem:$0xE0];
	v1 =	vshra.s32 v1, $0x7;
	[tilespmem:$0x2F0] =	vst v0  }
0x17: {  	v29 =	vld [tilespmem:$0x60];
	v28 =	vshra.s32 v2, $0x7;
	[tilespmem:$0x270] =	vst v1  }
0x18: {  	v32 =	vld [tilespmem:$0x50];
	v31 =	vshra.s32 v3, $0x1;
	[tilespmem:$0x2C0] =	vst v28  }
0x19: {  	v35 =	vld [tilespmem:$0xA0];
	v4 =	vshra.s32 v4, $0x1;
	[tilespmem:$0x1F0] =	vst v31  }
0x1a: {  	v36 =	vld [tilespmem:$0x40];
	v5 =	vshra.s32 v5, $0x7;
	[tilespmem:$0x170] =	vst v4  }
0x1b: {  	v44 =	vld [tilespmem:$0x80];
	v6 =	vshra.s32 v6, $0x1;
	[tilespmem:$0x2E0] =	vst v5  }
0x1c: {  	v50 =	vld [tilespmem:$0x90];
	v2 =	vshra.s32 v29, $0x1;
	[tilespmem:$0x1E0] =	vst v6  }
0x1d: {  	v52 =	vld [tilespmem:$0x60];
	v3 =	vshra.s32 v32, $0x7;
	[tilespmem:$0x160] =	vst v2  }
0x1e: {  	v53 =	vld [tilespmem:$0x0];
	v40 =	vshra.s32 v35, $0x7;
	[tilespmem:$0x250] =	vst v3  }
0x1f: {  	v54 =	vld [tilespmem:$0x80];
	v43 =	vshra.s32 v36, $0x7;
	[tilespmem:$0x2A0] =	vst v40  }
0x20: {  	v56 =	vld [tilespmem:$0xB0];
	v49 =	vshra.s32 v44, $0x7;
	[tilespmem:$0x240] =	vst v43  }
0x21: {  	v58 =	vld [tilespmem:$0x0];
	v55 =	vshra.s32 v50, $0x1;
	[tilespmem:$0x280] =	vst v49  }
0x22: {  	v30 =	vld [tilespmem:$0xD0];
	v59 =	vshra.s32 v52, $0x7;
	[tilespmem:$0x190] =	vst v55  }
0x23: {  	v33 =	vld [tilespmem:$0xD0];
	v60 =	vshra.s32 v53, $0x7;
	[tilespmem:$0x260] =	vst v59  }
0x24: {  	v34 =	vld [tilespmem:$0x50];
	v61 =	vshra.s32 v54, $0x1;
	[tilespmem:$0x200] =	vst v60  }
0x25: {  	v37 =	vld [tilespmem:$0xC0];
	v62 =	vshra.s32 v56, $0x7;
	[tilespmem:$0x180] =	vst v61  }
0x26: {  	v39 =	vld [tilespmem:$0x30];
	v63 =	vshra.s32 v58, $0x1;
	[tilespmem:$0x2B0] =	vst v62  }
0x27: {  	v41 =	vld [tilespmem:$0xB0];
	v0 =	vshra.s32 v30, $0x7;
	[tilespmem:$0x100] =	vst v63  }
0x28: {  	v38 =	vld [tilespmem:$0x40];
	v1 =	vshra.s32 v33, $0x1;
	[tilespmem:$0x2D0] =	vst v0  }
0x29: {  	v42 =	vld [tilespmem:$0x30];
	v4 =	vshra.s32 v34, $0x1;
	[tilespmem:$0x1D0] =	vst v1  }
0x2a: {  	v45 =	vld [tilespmem:$0x20];
	v2 =	vshra.s32 v37, $0x1;
	[tilespmem:$0x150] =	vst v4  }
0x2b: {  	v46 =	vld [tilespmem:$0xA0];
	v3 =	vshra.s32 v39, $0x7;
	[tilespmem:$0x1C0] =	vst v2  }
0x2c: {  	v48 =	vld [tilespmem:$0x10];
	v5 =	vshra.s32 v41, $0x1;
	[tilespmem:$0x230] =	vst v3  }
0x2d: {  	v47 =	vld [tilespmem:$0x20];
	v0 =	vshra.s32 v38, $0x1;
	[tilespmem:$0x1B0] =	vst v5  }
0x2e: {  	s18 =	simm.s32 $0x100;
	s15 =	simm.s32 $0x300;
	s20 =	simm.s32 $0x180;
	v51 =	vld [tilespmem:$0x10];
	v1 =	vshra.s32 v42, $0x1;
	[tilespmem:$0x140] =	vst v0  }
0x2f: {  	s16 =	simm.s32 $0x4300;
	s21 =	simm.s32 $0x200;
	s31 =	ssub.s32 $0x2, s9;
	v57 =	vld [tilespmem:$0x90];
	v4 =	vshra.s32 v45, $0x7;
	[tilespmem:$0x130] =	vst v1  }
0x30: {  	s17 =	simm.s32 $0x8300;
	s24 =	simm.s32 $0x280;
	s14 =	sshrl.u32 s31, $0x1;
	v2 =	vshra.s32 v46, $0x1;
	[tilespmem:$0x220] =	vst v4  }
0x31: {  	s25 =	simm.s32 $0x1;
	s23 =	simm.s32 $0x2;
	s14 =	ssub.s32 s31, s14;
	v3 =	vshra.s32 v48, $0x7;
	[tilespmem:$0x1A0] =	vst v2  }
0x32: {  	s12 =	sadd.s32 $0x1F200, s8;
	s10 =	sshll.u32 s10, $0x4;
	s19 =	smax.u32 s14, $0x1;
	v0 =	vshra.s32 v47, $0x1;
	[tilespmem:$0x210] =	vst v3  }
0x33: {  	s13 =	sadd.s32 $0x800, s8;
	s8 =	sadd.s32 s10, s8;
	p0 =	sne.s32 s19, $0x1;
	v1 =	vshra.s32 v51, $0x1;
	[tilespmem:$0x120] =	vst v0  }
.Ltmp0:
0x34: {  	s14 =	simm.s32 $0xC300;
	s11 =	sadd.s32 $0x7C0400, s8;
	[tilespmem:$0x110] =	vst v1;
	v0 =	vshra.s32 v57, $0x7;
	(pc) =	sbr.rel @!p0 .LBB2_2-.Ltmp0, $4  }
0x35: {  	s22 =	simm.s32 $0x3;
	s9 =	sadd.s32 $0x7D0400, s8;
	s10 =	sadd.s32 $0x7E0400, s8;
	[tilespmem:$0x290] =	vst v0  }
0x36: {  	[tilespmem:s15], [sflag:$0x1] =	stream.indirect.gather [hbm4b:s12+s6], $0x80, s18, s6, $0xb8;
	[tilespmem:$0x10300] =	vst v63  }
0x37: {  	s8 =	sadd.s32 $0x7F0400, s8;
	s26 =	sadd.s32 $0xFFFFFFFF, s19;
	s19 =	simm.s32 $0x4  }
0x38: {  	[tilespmem:s16], [sflag:$0x2] =	stream.indirect.gather [hbm4b:s12+s6], $0x80, s20, s6, $0xb8;
	[tilespmem:$0x10300] =	vst v63  }
.LBB2_1:
0x39: {  	p0 =	sne.s32 s26, $0x1;
	s26 =	sadd.s32 $0xFFFFFFFF, s26  }
0x3a: {  	[tilespmem:s17], [sflag:$0x3] =	stream.indirect.gather [hbm4b:s4+s6], $0x80, s21, s6, $0xb8;
	[tilespmem:$0x10300] =	vst v63  }
0x3b: {  	_ = 	snop  }
0x3c: {  	[tilespmem:s14], [sflag:$0x4] =	stream.indirect.gather [hbm4b:s13+s6], $0x80, s24, s6, $0xb8;
	[tilespmem:$0x10300] =	vst v63  }
0x3d: {  	_ =	swait.ge [sflag:s25], $0x4000  }
0x3e: {  	[sflag:s25] =	ssyncset.done $0x0  }
0x3f: {  	[sflag:s25] =	ssyncadd.s32 $0xFFFFC000  }
0x40: {  	_ =	swait.ge [sflag:s23], $0x4000  }
0x41: {  	[sflag:s23] =	ssyncset.done $0x0  }
0x42: {  	[sflag:s23] =	ssyncadd.s32 $0xFFFFC000  }
0x43: {  	_ =	swait.ge [sflag:s22], $0x4000  }
0x44: {  	[sflag:s22] =	ssyncset.done $0x0  }
0x45: {  	[sflag:s22] =	ssyncadd.s32 $0xFFFFC000  }
0x46: {  	_ =	swait.ge [sflag:s19], $0x4000  }
0x47: {  	[sflag:s19] =	ssyncset.done $0x0  }
0x48: {  	[sflag:s19] =	ssyncadd.s32 $0xFFFFC000  }
0x49: {  	[hbm4b:s11+s2] =	stream.linear.scatter [tilespmem:s15], [sflag:$0x5], $0x4000, $0x38;
	[tilespmem:$0x10300] =	vst v63  }
0x4a: {  	_ =	swait.ge [sflag:s3], $0x4000  }
0x4b: {  	[sflag:s3] =	ssyncset.done $0x0  }
0x4c: {  	[sflag:s3] =	ssyncadd.s32 $0xFFFFC000  }
0x4d: {  	[hbm4b:s9+s2] =	stream.linear.scatter [tilespmem:s16], [sflag:$0x5], $0x4000, $0x38;
	[tilespmem:$0x10300] =	vst v63  }
0x4e: {  	_ =	swait.ge [sflag:s3], $0x4000  }
0x4f: {  	[sflag:s3] =	ssyncset.done $0x0  }
0x50: {  	[sflag:s3] =	ssyncadd.s32 $0xFFFFC000  }
0x51: {  	[hbm4b:s10+s2] =	stream.linear.scatter [tilespmem:s17], [sflag:$0x5], $0x4000, $0x38;
	[tilespmem:$0x10300] =	vst v63  }
0x52: {  	_ =	swait.ge [sflag:s3], $0x4000  }
0x53: {  	[sflag:s3] =	ssyncset.done $0x0  }
0x54: {  	[sflag:s3] =	ssyncadd.s32 $0xFFFFC000  }
0x55: {  	[hbm4b:s8+s2] =	stream.linear.scatter [tilespmem:s14], [sflag:$0x5], $0x4000, $0x38;
	[tilespmem:$0x10300] =	vst v63  }
0x56: {  	_ =	swait.ge [sflag:s3], $0x4000  }
0x57: {  	[sflag:s3] =	ssyncset.done $0x0  }
0x58: {  	[sflag:s3] =	ssyncadd.s32 $0xFFFFC000  }
0x59: {  	[tilespmem:s2], [sflag:$0x5] =	stream.linear.gather [hbm4b:s5+s2], $0x80, $0x38;
	[tilespmem:$0x10300] =	vst v63  }
0x5a: {  	_ =	swait.ge [sflag:s3], $0x80  }
0x5b: {  	[sflag:s3] =	ssyncset.done $0x0  }
0x5c: {  	[sflag:s3] =	ssyncadd.s32 $0xFFFFFF80  }
0x5d: {  	[tilespmem:s6], [sflag:$0x5] =	stream.linear.gather [hbm4b:s7+s2], $0x80, $0x38;
	[tilespmem:$0x10300] =	vst v63  }
0x5e: {  	_ =	swait.ge [sflag:s3], $0x80  }
0x5f: {  	[sflag:s3] =	ssyncset.done $0x0  }
0x60: {  	[sflag:s3] =	ssyncadd.s32 $0xFFFFFF80  }
0x61: {  	v0 =	vld [tilespmem:$0xF0]  }
0x62: {  	v1 =	vld [tilespmem:$0x70]  }
0x63: {  	v2 =	vld [tilespmem:$0xC0]  }
0x64: {  	v3 =	vld [tilespmem:$0xF0]  }
0x65: {  	v4 =	vld [tilespmem:$0x70]  }
0x66: {  	v5 =	vld [tilespmem:$0xE0];
	v0 =	vshra.s32 v0, $0x7  }
0x67: {  	v6 =	vld [tilespmem:$0xE0];
	v1 =	vshra.s32 v1, $0x7;
	[tilespmem:$0x2F0] =	vst v0  }
0x68: {  	v0 =	vshra.s32 v2, $0x7;
	v2 =	vld [tilespmem:$0x60];
	[tilespmem:$0x270] =	vst v1  }
0x69: {  	[tilespmem:$0x2C0] =	vst v0;
	v0 =	vld [tilespmem:$0xD0];
	v1 =	vshra.s32 v3, $0x1  }
0x6a: {  	v3 =	vld [tilespmem:$0x50];
	v4 =	vshra.s32 v4, $0x1;
	[tilespmem:$0x1F0] =	vst v1  }
0x6b: {  	v1 =	vld [tilespmem:$0xD0];
	v5 =	vshra.s32 v5, $0x7;
	[tilespmem:$0x170] =	vst v4  }
0x6c: {  	v4 =	vld [tilespmem:$0x50];
	v6 =	vshra.s32 v6, $0x1;
	[tilespmem:$0x2E0] =	vst v5  }
0x6d: {  	v5 =	vld [tilespmem:$0xA0];
	v2 =	vshra.s32 v2, $0x1;
	[tilespmem:$0x1E0] =	vst v6  }
0x6e: {  	v6 =	vld [tilespmem:$0x40];
	v0 =	vshra.s32 v0, $0x7;
	[tilespmem:$0x160] =	vst v2  }
0x6f: {  	v2 =	vld [tilespmem:$0xC0];
	v3 =	vshra.s32 v3, $0x7;
	[tilespmem:$0x2D0] =	vst v0  }
0x70: {  	v0 =	vld [tilespmem:$0x40];
	v1 =	vshra.s32 v1, $0x1;
	[tilespmem:$0x250] =	vst v3  }
0x71: {  	v3 =	vld [tilespmem:$0x30];
	v4 =	vshra.s32 v4, $0x1;
	[tilespmem:$0x1D0] =	vst v1  }
0x72: {  	v1 =	vshra.s32 v5, $0x7;
	v5 =	vld [tilespmem:$0xB0];
	[tilespmem:$0x150] =	vst v4  }
0x73: {  	[tilespmem:$0x2A0] =	vst v1;
	v1 =	vld [tilespmem:$0x30];
	v4 =	vshra.s32 v6, $0x7  }
0x74: {  	v6 =	vld [tilespmem:$0x80];
	v2 =	vshra.s32 v2, $0x1;
	[tilespmem:$0x240] =	vst v4  }
0x75: {  	v4 =	vld [tilespmem:$0x20];
	v0 =	vshra.s32 v0, $0x1;
	[tilespmem:$0x1C0] =	vst v2  }
0x76: {  	v2 =	vld [tilespmem:$0xA0];
	v3 =	vshra.s32 v3, $0x7;
	[tilespmem:$0x140] =	vst v0  }
0x77: {  	v0 =	vld [tilespmem:$0x20];
	v5 =	vshra.s32 v5, $0x1;
	[tilespmem:$0x230] =	vst v3  }
0x78: {  	v3 =	vld [tilespmem:$0x10];
	v1 =	vshra.s32 v1, $0x1;
	[tilespmem:$0x1B0] =	vst v5  }
0x79: {  	v5 =	vshra.s32 v6, $0x7;
	v6 =	vld [tilespmem:$0x90];
	[tilespmem:$0x130] =	vst v1  }
0x7a: {  	[tilespmem:$0x280] =	vst v5;
	v1 =	vld [tilespmem:$0x10];
	v4 =	vshra.s32 v4, $0x7  }
0x7b: {  	v2 =	vshra.s32 v2, $0x1;
	[tilespmem:$0x220] =	vst v4;
	v4 =	vld [tilespmem:$0x60]  }
0x7c: {  	v5 =	vld [tilespmem:$0x0];
	v0 =	vshra.s32 v0, $0x1;
	[tilespmem:$0x1A0] =	vst v2  }
0x7d: {  	v2 =	vld [tilespmem:$0x80];
	v3 =	vshra.s32 v3, $0x7;
	[tilespmem:$0x120] =	vst v0  }
0x7e: {  	v0 =	vshra.s32 v6, $0x1;
	[tilespmem:$0x210] =	vst v3;
	v3 =	vld [tilespmem:$0xB0]  }
0x7f: {  	v1 =	vshra.s32 v1, $0x1;
	[tilespmem:$0x190] =	vst v0;
	v0 =	vld [tilespmem:$0x90]  }
0x80: {  	v6 =	vld [tilespmem:$0x0];
	[tilespmem:$0x110] =	vst v1;
	v1 =	vshra.s32 v4, $0x7  }
0x81: {  	v4 =	vshra.s32 v5, $0x7;
	[tilespmem:$0x260] =	vst v1  }
0x82: {  	v1 =	vshra.s32 v2, $0x1;
	[tilespmem:$0x200] =	vst v4  }
0x83: {  	[tilespmem:$0x180] =	vst v1;
	v1 =	vshra.s32 v3, $0x7  }
0x84: {  	v0 =	vshra.s32 v0, $0x7;
	[tilespmem:$0x2B0] =	vst v1  }
.Ltmp1:
0x85: {  	v1 =	vshra.s32 v6, $0x1;
	[tilespmem:$0x290] =	vst v0;
	(pc) =	sbr.rel @p0 .LBB2_1-.Ltmp1, $4  }
0x86: {  	[tilespmem:$0x100] =	vst v1  }
0x87: {  	[tilespmem:s15], [sflag:$0x1] =	stream.indirect.gather [hbm4b:s12+s6], $0x80, s18, s6, $0xb8;
	[tilespmem:$0x10300] =	vst v63  }
0x88: {  	_ = 	snop  }
0x89: {  	[tilespmem:s16], [sflag:$0x2] =	stream.indirect.gather [hbm4b:s12+s6], $0x80, s20, s6, $0xb8;
	[tilespmem:$0x10300] =	vst v63  }
.LBB2_2:
0x8a: {  	[tilespmem:s17], [sflag:$0x3] =	stream.indirect.gather [hbm4b:s4+s6], $0x80, s21, s6, $0xb8;
	[tilespmem:$0x10300] =	vst v63  }
0x8b: {  	_ = 	snop  }
0x8c: {  	[tilespmem:s14], [sflag:$0x4] =	stream.indirect.gather [hbm4b:s13+s6], $0x80, s24, s6, $0xb8;
	[tilespmem:$0x10300] =	vst v63  }
0x8d: {  	_ =	swait.ge [sflag:s25], $0x4000  }
0x8e: {  	[sflag:s25] =	ssyncset.done $0x0  }
0x8f: {  	[sflag:s25] =	ssyncadd.s32 $0xFFFFC000  }
0x90: {  	_ =	swait.ge [sflag:s23], $0x4000  }
0x91: {  	[sflag:s23] =	ssyncset.done $0x0  }
0x92: {  	[sflag:s23] =	ssyncadd.s32 $0xFFFFC000  }
0x93: {  	_ =	swait.ge [sflag:s22], $0x4000  }
0x94: {  	[sflag:s22] =	ssyncset.done $0x0  }
0x95: {  	[sflag:s22] =	ssyncadd.s32 $0xFFFFC000  }
0x96: {  	_ =	swait.ge [sflag:s19], $0x4000  }
0x97: {  	[sflag:s19] =	ssyncset.done $0x0  }
0x98: {  	[sflag:s19] =	ssyncadd.s32 $0xFFFFC000  }
0x99: {  	[hbm4b:s11+s2] =	stream.linear.scatter [tilespmem:s15], [sflag:$0x5], $0x4000, $0x38;
	[tilespmem:$0x10300] =	vst v63  }
0x9a: {  	_ =	swait.ge [sflag:s3], $0x4000  }
0x9b: {  	[sflag:s3] =	ssyncset.done $0x0  }
0x9c: {  	[sflag:s3] =	ssyncadd.s32 $0xFFFFC000  }
0x9d: {  	[hbm4b:s9+s2] =	stream.linear.scatter [tilespmem:s16], [sflag:$0x5], $0x4000, $0x38;
	[tilespmem:$0x10300] =	vst v63  }
0x9e: {  	_ =	swait.ge [sflag:s3], $0x4000  }
0x9f: {  	[sflag:s3] =	ssyncset.done $0x0  }
0xa0: {  	[sflag:s3] =	ssyncadd.s32 $0xFFFFC000  }
0xa1: {  	[hbm4b:s10+s2] =	stream.linear.scatter [tilespmem:s17], [sflag:$0x5], $0x4000, $0x38;
	[tilespmem:$0x10300] =	vst v63  }
0xa2: {  	_ =	swait.ge [sflag:s3], $0x4000  }
0xa3: {  	[sflag:s3] =	ssyncset.done $0x0  }
0xa4: {  	[sflag:s3] =	ssyncadd.s32 $0xFFFFC000  }
0xa5: {  	[hbm4b:s8+s2] =	stream.linear.scatter [tilespmem:s14], [sflag:$0x5], $0x4000, $0x38;
	[tilespmem:$0x10300] =	vst v63  }
0xa6: {  	_ =	swait.ge [sflag:s3], $0x4000  }
0xa7: {  	[sflag:s3] =	ssyncset.done $0x0  }
0xa8: {  	[sflag:s3] =	ssyncadd.s32 $0xFFFFC000  }
0xa9: {  	_ =	sfence.sel $0x180000  }
0xaa: {  	[bflag:$0x0] =	sbarrier.arrive $0xFFFF  }
0xab: {  	p0 =	sne.s32 s0, $0x0;
	_ =	strace $0x90000047  }
0xac: {  	s0 =	sadd.s32 @!p0 $0x100000, s1;
	[bflag:$0x2] =	sbarrier.arrive $0xFFFF  }
0xad: {  	[sflag:s0] =	ssyncadd.tile.s32 @!p0 $0x1;
	_ =	shalt  }
.Lfunc_end2:
_tile_overlayer_lowered:
.L_overlay_start_2:
0xae: {  	(tag) =	ssettag $0x2  }
0xaf: {  	s0 =	rddreg [dreg:$0x0];
	s2 =	stileid.u32  }
0xb0: {  	s1 =	rddreg [dreg:$0x1];
	p0 =	sne.s32 s2, $0x0  }
0xb1: {  	s3 =	rddreg [dreg:$0x2];
	[bflag:$0x3] =	sbarrier.arrive $0xFFFF;
	s2 =	simm.s32 @!p0 $0x1C05  }
0xb2: {  	[timem:s3], [sflag:s2] =	dma.local @!p0 [hbm:s0], s1  }
0xb3: {  	s0 =	simm.s32 @!p0 $0x5  }
0xb4: {  	_ =	swait.ge @!p0 [sflag:s0], s1  }
0xb5: {  	s1 =	ssub.s32 @!p0 $0x0, s1;
	[sflag:s0] =	ssyncset.done @!p0 $0x0  }
0xb6: {  	[sflag:s0] =	ssyncadd.s32 @!p0 s1  }
0xb7: {  	[bflag:$0x3] =	sbarrier.arrive $0xFFFF  }
0xb8: {  	_ =	shalt  }

</sc_bundles>
